<compile_context>
chip_gen: v7x
topology: tpu7x:2x2x1
jax: 0.10.2.dev20260603
libtpu: 0.0.44.dev20260713+nightly
codegen_flags: <defaults>
</compile_context>

<pallas_src>
import jax
import jax.numpy as jnp
from jax import lax
from jax.experimental import pallas as pl
from jax.experimental.pallas import tpu as pltpu
from jax.experimental.pallas import tpu_sc as plsc

N = 10000
D = 128
HD = 64
C = 8
E = 320000
B = 250
NPG = 40
APG = 20
H = 64

CHUNK = 128
NSUB = 16
E_PAD = 327680
NCHUNK = E_PAD // CHUNK
PER_W = NCHUNK // NSUB
N_ACC = 10112
ROWS_PER_SUB = N_ACC // 16
OUT_STRIPE = 624
OUT_REM = N - 16 * OUT_STRIPE

GB = 50
NSTEP = B // GB


def _sc_edge_body(znf_hbm, src_hbm, dst_hbm, zero_hbm, out_hbm,
                  src_v, dst_v, r0, r1, r2, r3, agg_sh,
                  g0, g1, g2, g3):
    rows = (r0, r1, r2, r3)
    gsem = (g0, g1, g2, g3)
    cid = lax.axis_index("c")
    sid = lax.axis_index("s")
    tbl = znf_hbm.at[cid]

    pltpu.sync_copy(zero_hbm,
                    agg_sh.at[pl.ds(sid * ROWS_PER_SUB, ROWS_PER_SUB)])
    pltpu.sync_copy(src_hbm.at[sid], src_v)
    pltpu.sync_copy(dst_hbm.at[sid], dst_v)
    plsc.subcore_barrier()

    for b in range(3):
        pltpu.async_copy(tbl.at[src_v.at[b]], rows[b], gsem[b])

    @pl.loop(0, PER_W, step=4)
    def _(j0):
        for b in range(4):
            j = j0 + b
            b2 = (b + 3) % 4
            pltpu.make_async_copy(tbl.at[src_v.at[0]], rows[b],
                                  gsem[b]).wait()

            @pl.when(j + 3 < PER_W)
            def _():
                pltpu.async_copy(tbl.at[src_v.at[j + 3]], rows[b2],
                                 gsem[b2])

            pltpu.sync_copy(rows[b], agg_sh.at[dst_v.at[j]],
                            add=True)

    plsc.subcore_barrier()
    pltpu.sync_copy(agg_sh.at[pl.ds(sid * OUT_STRIPE, OUT_STRIPE)],
                    out_hbm.at[cid].at[pl.ds(sid * OUT_STRIPE, OUT_STRIPE)])

    @pl.when(sid == 15)
    def _():
        pltpu.sync_copy(agg_sh.at[pl.ds(16 * OUT_STRIPE, OUT_REM)],
                        out_hbm.at[cid].at[pl.ds(16 * OUT_STRIPE, OUT_REM)])


def _sc_edge_agg(znf, src3, dst3, zeros_acc):
    mesh = plsc.VectorSubcoreMesh(core_axis_name="c", subcore_axis_name="s")
    kfn = pl.kernel(
        _sc_edge_body,
        out_type=jax.ShapeDtypeStruct((2, N, HD), jnp.float32),
        mesh=mesh,
        scratch_types=[
            pltpu.VMEM((PER_W, CHUNK), jnp.int32),
            pltpu.VMEM((PER_W, CHUNK), jnp.int32),
        ] + [pltpu.VMEM((CHUNK, HD), jnp.float32)] * 4 + [
            pltpu.VMEM_SHARED((N_ACC, HD), jnp.float32),
        ] + [pltpu.SemaphoreType.DMA] * 4,
        compiler_params=pltpu.CompilerParams(use_tc_tiling_on_sc=False),
    )
    return kfn(znf, src3, dst3, zeros_acc)


def _tc_post_body(nf_ref, agg_ref, qs_ref, wself_ref, wnlo_ref, wnhi_ref,
                  bw_ref, w1_ref, b1_ref, w2_ref, b2_ref,
                  qout_ref, ws_ref, wf_ref, an_ref, normed_ref):
    nf3 = nf_ref[...]
    nf2 = nf3.reshape(GB * NPG, D)
    aggp = agg_ref[...]
    agglo = aggp[0].reshape(GB * NPG, HD)
    agghi = aggp[1].reshape(GB * NPG, HD)

    zs = (jnp.dot(nf2, wself_ref[...], preferred_element_type=jnp.float32)
          + jnp.dot(agglo, wnlo_ref[...], preferred_element_type=jnp.float32)
          + jnp.dot(agghi, wnhi_ref[...], preferred_element_type=jnp.float32)
          + bw_ref[...][0][None, :])
    zs = jnp.maximum(zs, 0.0)
    z3 = zs.reshape(GB, NPG, C)[:, :APG, :]
    z3 = jnp.clip(z3, 1e-10, 10.0)
    z3 = z3 - jnp.max(z3, axis=-1, keepdims=True)
    ez = jnp.exp(z3)
    ws3 = ez / jnp.sum(ez, axis=-1, keepdims=True)
    ws_ref[...] = ws3

    anf = nf3[:, :APG, :]
    wf = jax.lax.dot_general(ws3, anf, (((1,), (1,)), ((0,), (0,))),
                             preferred_element_type=jnp.float32,
                             precision=jax.lax.Precision.HIGHEST)
    wf_ref[...] = wf

    gdp = jax.lax.dot_general(anf, wf, (((2,), (2,)), ((0,), (0,))),
                              preferred_element_type=jnp.float32,
                              precision=jax.lax.Precision.HIGHEST)
    nfn = jnp.sqrt(jnp.sum(anf * anf, axis=2))
    wfn = jnp.sqrt(jnp.sum(wf * wf, axis=2))
    an = gdp / (nfn[:, :, None] * wfn[:, None, :])
    an_ref[...] = an
    normed_ref[...] = jnp.concatenate(
        [an, jnp.zeros((GB, NPG - APG, C), jnp.float32)], axis=1)

    q_agg = jnp.sum(qs_ref[...] * ws3, axis=1)
    snf = jnp.sum(nf3, axis=1)
    h = jnp.maximum(
        jnp.dot(snf, w1_ref[...], preferred_element_type=jnp.float32)
        + b1_ref[...][0][None, :], 0.0)
    qv = (jnp.dot(h, w2_ref[...], preferred_element_type=jnp.float32)
          + b2_ref[...][0][None, :])
    qout_ref[...] = (q_agg + qv)[:, None, :]


def _tc_post(nf3, agg4, qs2, W_self, Wn_lo, Wn_hi, b_w, W1, b1, W2, b2):
    grid = (NSTEP,)
    out_shapes = (
        jax.ShapeDtypeStruct((B, 1, C), jnp.float32),
        jax.ShapeDtypeStruct((B, APG, C), jnp.float32),
        jax.ShapeDtypeStruct((B, C, D), jnp.float32),
        jax.ShapeDtypeStruct((B, APG, C), jnp.float32),
        jax.ShapeDtypeStruct((B, NPG, C), jnp.float32),
    )
    in_specs = [
        pl.BlockSpec((GB, NPG, D), lambda i: (i, 0, 0)),
        pl.BlockSpec((2, GB, NPG, HD), lambda i: (0, i, 0, 0)),
        pl.BlockSpec((GB, APG, 1), lambda i: (i, 0, 0)),
        pl.BlockSpec((D, C), lambda i: (0, 0)),
        pl.BlockSpec((HD, C), lambda i: (0, 0)),
        pl.BlockSpec((HD, C), lambda i: (0, 0)),
        pl.BlockSpec((1, C), lambda i: (0, 0)),
        pl.BlockSpec((D, H), lambda i: (0, 0)),
        pl.BlockSpec((1, H), lambda i: (0, 0)),
        pl.BlockSpec((H, 1), lambda i: (0, 0)),
        pl.BlockSpec((1, 1), lambda i: (0, 0)),
    ]
    out_specs = (
        pl.BlockSpec((GB, 1, C), lambda i: (i, 0, 0)),
        pl.BlockSpec((GB, APG, C), lambda i: (i, 0, 0)),
        pl.BlockSpec((GB, C, D), lambda i: (i, 0, 0)),
        pl.BlockSpec((GB, APG, C), lambda i: (i, 0, 0)),
        pl.BlockSpec((GB, NPG, C), lambda i: (i, 0, 0)),
    )
    return pl.pallas_call(
        _tc_post_body, grid=grid, in_specs=in_specs, out_specs=out_specs,
        out_shape=out_shapes,
    )(nf3, agg4, qs2, W_self, Wn_lo, Wn_hi, b_w, W1, b1, W2, b2)


def kernel(node_feature, qs, edge_index, graph_id, ally_indices,
           W_self, W_nbr, b_w, W1, b1, W2, b2):
    del graph_id, ally_indices

    pad = E_PAD - E
    src3 = jnp.concatenate([edge_index[0], jnp.zeros((pad,), jnp.int32)]
                           ).reshape(NSUB, PER_W, CHUNK)
    dst3 = jnp.concatenate([edge_index[1], jnp.full((pad,), N, jnp.int32)]
                           ).reshape(NSUB, PER_W, CHUNK)
    znf = jnp.stack([node_feature[:, :HD], node_feature[:, HD:]])
    zeros_acc = jnp.zeros((ROWS_PER_SUB, HD), jnp.float32)
    agg_halves = _sc_edge_agg(znf, src3, dst3, zeros_acc)

    nf3 = node_feature.reshape(B, NPG, D)
    agg4 = agg_halves.reshape(2, B, NPG, HD)
    qs2 = qs.reshape(B, APG, 1)
    q_out, ws3, wf, an3, normed3 = _tc_post(
        nf3, agg4, qs2, W_self, W_nbr[:HD], W_nbr[HD:], b_w.reshape(1, C),
        W1, b1.reshape(1, H), W2, b2.reshape(1, 1))

    return (q_out.reshape(B, C), ws3.reshape(B * APG, C), wf,
            an3.reshape(B * APG, C), normed3.reshape(N, C))

# --- scband reference (transcript-rebuilt; emitter-appended) ---
"""Pipeline reference for scband-qmixer-64896955842839 (READ-ONLY COPY).

The authoritative reference and input builder live on the scoring server;
editing this copy changes nothing except your own understanding.
"""

import jax, jax.numpy as jnp
import numpy as np

N = 10000      # total nodes
D = 128        # feature dim
C = 8          # num_clusters
E = 320000     # edges (avg_degree 32)
B = 250        # graphs in batch
NPG = 40       # nodes per graph
APG = 20       # allies per graph
A = B * APG    # total ally nodes
H = 64         # q_b_net hidden
VERY_SMALL_NUMBER = 1e-10


def setup_inputs(seed: int = 0) -> dict:
    key = jax.random.key(seed)
    ks = jax.random.split(key, 10)
    node_feature = jax.random.normal(ks[0], (N, D), dtype=jnp.float32)
    edge_index = jax.random.randint(ks[1], (2, E), 0, N, dtype=jnp.int32)
    # deterministic batched-graph layout: graph g owns nodes [g*NPG, (g+1)*NPG); first APG are allies
    graph_id = jnp.repeat(jnp.arange(B, dtype=jnp.int32), NPG)
    ally_indices = (jnp.arange(B, dtype=jnp.int32)[:, None] * NPG + jnp.arange(APG, dtype=jnp.int32)[None, :]).reshape(-1)
    qs = jax.random.normal(ks[2], (A,), dtype=jnp.float32)
    # w_net (relational GNN layer -> num_clusters logits)
    W_self = jax.random.normal(ks[3], (D, C), dtype=jnp.float32) * 0.1
    W_nbr = jax.random.normal(ks[4], (D, C), dtype=jnp.float32) * 0.1
    b_w = jnp.zeros((C,), dtype=jnp.float32)
    # q_b_net MLP params
    W1 = jax.random.normal(ks[5], (D, H), dtype=jnp.float32) * 0.1
    b1 = jnp.zeros((H,), dtype=jnp.float32)
    W2 = jax.random.normal(ks[6], (H, 1), dtype=jnp.float32) * 0.1
    b2 = jnp.zeros((1,), dtype=jnp.float32)
    return {"node_feature": node_feature, "qs": qs, "edge_index": edge_index,
            "graph_id": graph_id, "ally_indices": ally_indices,
            "W_self": W_self, "W_nbr": W_nbr, "b_w": b_w,
            "W1": W1, "b1": b1, "W2": W2, "b2": b2}


def _get_w(node_feature, edge_index, ally_indices, W_self, W_nbr, b_w):
    src, dst = edge_index[0], edge_index[1]
    msgs = node_feature[src]                                   # gather
    agg = jax.ops.segment_sum(msgs, dst, num_segments=N)       # scatter-add
    ws_all = jax.nn.relu(node_feature @ W_self + agg @ W_nbr + b_w)
    ally_ws = ws_all[ally_indices]                             # gather
    ally_ws = jnp.clip(ally_ws, VERY_SMALL_NUMBER, 10.0)
    return jax.nn.softmax(ally_ws, axis=1)


def reference(node_feature, qs, edge_index, graph_id, ally_indices,
              W_self, W_nbr, b_w, W1, b1, W2, b2):
    ws = _get_w(node_feature, edge_index, ally_indices, W_self, W_nbr, b_w)  # [A, C]
    # ---- get_feat ----
    ally_nf = node_feature[ally_indices]                       # [A, D]
    weighted_feat = ws[:, None, :] * ally_nf[:, :, None]       # [A, D, C]
    _wf = jnp.zeros((N, D, C), jnp.float32).at[ally_indices].set(weighted_feat)  # scatter-overwrite
    wf_g = jax.ops.segment_sum(_wf, graph_id, num_segments=B)  # dgl.sum_nodes -> [B, D, C]
    wf = jnp.transpose(wf_g, (0, 2, 1))                        # [B, C, D]
    repeat_wf = jnp.repeat(wf, APG, axis=0)                    # repeat_interleave -> [A, C, D]
    group_dot_prd = (ally_nf[:, :, None] * jnp.transpose(repeat_wf, (0, 2, 1))).sum(axis=1)  # [A, C]
    nf_norm_allies = jnp.linalg.norm(ally_nf[:, :, None], axis=1)  # [A, 1]
    wf_norm = jnp.linalg.norm(repeat_wf, axis=2)               # [A, C]
    ally_normed = group_dot_prd / (nf_norm_allies * wf_norm)   # [A, C]
    normed = jnp.zeros((N, C), jnp.float32).at[ally_indices].set(ally_normed)
    # ---- get_q (ws recomputed as in forward) ----
    ws_q = _get_w(node_feature, edge_index, ally_indices, W_self, W_nbr, b_w)
    weighted_q = qs[:, None] * ws_q                            # [A, C]
    q_full = jnp.zeros((N, C), jnp.float32).at[ally_indices].set(weighted_q)
    q_agg = jax.ops.segment_sum(q_full, graph_id, num_segments=B)   # [B, C]
    snf = jax.ops.segment_sum(node_feature, graph_id, num_segments=B)  # [B, D]
    q_v = jax.nn.relu(snf @ W1 + b1) @ W2 + b2                 # [B, 1]
    q_out = q_agg + q_v                                        # [B, C]
    return (q_out, ws, wf, ally_normed, normed)


if False:  # reference __main__ guard neutralized (emitter)
    out = reference(**setup_inputs())
    for o in out:
        print(o.shape)

if __name__ == "__main__":
    import jax
    _d = setup_inputs()
    print(jax.jit(kernel)(*tuple(_d.values())))

</pallas_src>

<mosaic_0001>
#map = affine_map<(d0, d1) -> (0, 0, 0)>
#map1 = affine_map<(d0, d1) -> (0, 0)>
module attributes {stable_mosaic.version = 14 : i64} {
  func.func @_sc_edge_body(%arg0: i32, %arg1: i32, %arg2: memref<2x10000x64xf32, #tpu.memory_space<hbm>>, %arg3: memref<16x160x128xi32, #tpu.memory_space<hbm>>, %arg4: memref<16x160x128xi32, #tpu.memory_space<hbm>>, %arg5: memref<632x64xf32, #tpu.memory_space<hbm>>, %arg6: memref<2x10000x64xf32, #tpu.memory_space<hbm>>, %arg7: memref<160x128xi32, #tpu.memory_space<vmem>>, %arg8: memref<160x128xi32, #tpu.memory_space<vmem>>, %arg9: memref<128x64xf32, #tpu.memory_space<vmem>>, %arg10: memref<128x64xf32, #tpu.memory_space<vmem>>, %arg11: memref<128x64xf32, #tpu.memory_space<vmem>>, %arg12: memref<128x64xf32, #tpu.memory_space<vmem>>, %arg13: memref<10112x64xf32, #tpu.memory_space<vmem_shared>>, %arg14: memref<!tpu.dma_semaphore, #tpu.memory_space<semaphore_mem>>, %arg15: memref<!tpu.dma_semaphore, #tpu.memory_space<semaphore_mem>>, %arg16: memref<!tpu.dma_semaphore, #tpu.memory_space<semaphore_mem>>, %arg17: memref<!tpu.dma_semaphore, #tpu.memory_space<semaphore_mem>>) attributes {dimension_semantics = [#tpu.dimension_semantics<core_parallel>, #tpu.dimension_semantics<subcore_parallel>], iteration_bounds = array<i64: 2, 16>, scalar_prefetch = 0 : i64, scratch_operands = 11 : i64, tpu.core_type = #tpu.core_type<sc_vector_subcore>, window_params = [{transform_indices = #map}, {transform_indices = #map}, {transform_indices = #map}, {transform_indices = #map1}, {transform_indices = #map}]} {
    %mul3A = arith.constant 632 : i32
    %mul3A_0 = arith.muli %arg1, %mul3A : i32
    "tpu.region"() ({
      %run_scoped3A = tpu.sem_alloc : memref<!tpu.dma_semaphore, #tpu.memory_space<semaphore_mem>>
      %dma_start3A_44 = arith.constant 0 : i32
      %dma_start3A_45 = tpu.memref_slice %arg13[%mul3A_0, %dma_start3A_44] : memref<10112x64xf32, #tpu.memory_space<vmem_shared>> -> memref<632x64xf32, #tpu.memory_space<vmem_shared>>
      tpu.enqueue_dma source(%arg5 : memref<632x64xf32, #tpu.memory_space<hbm>>) target(%dma_start3A_45 : memref<632x64xf32, #tpu.memory_space<vmem_shared>>) target_semaphore(%run_scoped3A : memref<!tpu.dma_semaphore, #tpu.memory_space<semaphore_mem>>)
      %dma_wait3A = arith.constant 0 : i32
      %dma_wait3A_46 = tpu.memref_slice %arg13[%mul3A_0, %dma_wait3A] : memref<10112x64xf32, #tpu.memory_space<vmem_shared>> -> memref<632x64xf32, #tpu.memory_space<vmem_shared>>
      tpu.wait_dma2 semaphore(%run_scoped3A : memref<!tpu.dma_semaphore, #tpu.memory_space<semaphore_mem>>) src(%arg5 : memref<632x64xf32, #tpu.memory_space<hbm>>) dst(%dma_wait3A_46 : memref<632x64xf32, #tpu.memory_space<vmem_shared>>)
      tpu.yield
    }) : () -> ()
    "tpu.region"() ({
      %run_scoped3A = tpu.sem_alloc : memref<!tpu.dma_semaphore, #tpu.memory_space<semaphore_mem>>
      %dma_start3A_44 = arith.constant 0 : i32
      %dma_start3A_45 = arith.constant 0 : i32
      %dma_start3A_46 = tpu.memref_slice %arg3[%arg1, %dma_start3A_44, %dma_start3A_45] : memref<16x160x128xi32, #tpu.memory_space<hbm>> -> memref<1x160x128xi32, #tpu.memory_space<hbm>>
      %dma_start3A_47 = tpu.memref_squeeze %dma_start3A_46 : memref<1x160x128xi32, #tpu.memory_space<hbm>> -> memref<160x128xi32, #tpu.memory_space<hbm>>
      %dma_start3A_48 = arith.constant 0 : i32
      %dma_start3A_49 = arith.constant 0 : i32
      %dma_start3A_50 = tpu.memref_slice %arg3[%arg1, %dma_start3A_48, %dma_start3A_49] : memref<16x160x128xi32, #tpu.memory_space<hbm>> -> memref<1x160x128xi32, #tpu.memory_space<hbm>>
      %dma_start3A_51 = tpu.memref_squeeze %dma_start3A_50 : memref<1x160x128xi32, #tpu.memory_space<hbm>> -> memref<160x128xi32, #tpu.memory_space<hbm>>
      tpu.enqueue_dma source(%dma_start3A_51 : memref<160x128xi32, #tpu.memory_space<hbm>>) target(%arg7 : memref<160x128xi32, #tpu.memory_space<vmem>>) target_semaphore(%run_scoped3A : memref<!tpu.dma_semaphore, #tpu.memory_space<semaphore_mem>>)
      %dma_wait3A = arith.constant 0 : i32
      %dma_wait3A_52 = arith.constant 0 : i32
      %dma_wait3A_53 = tpu.memref_slice %arg3[%arg1, %dma_wait3A, %dma_wait3A_52] : memref<16x160x128xi32, #tpu.memory_space<hbm>> -> memref<1x160x128xi32, #tpu.memory_space<hbm>>
      %dma_wait3A_54 = tpu.memref_squeeze %dma_wait3A_53 : memref<1x160x128xi32, #tpu.memory_space<hbm>> -> memref<160x128xi32, #tpu.memory_space<hbm>>
      %dma_wait3A_55 = arith.constant 0 : i32
      %dma_wait3A_56 = arith.constant 0 : i32
      %dma_wait3A_57 = tpu.memref_slice %arg3[%arg1, %dma_wait3A_55, %dma_wait3A_56] : memref<16x160x128xi32, #tpu.memory_space<hbm>> -> memref<1x160x128xi32, #tpu.memory_space<hbm>>
      %dma_wait3A_58 = tpu.memref_squeeze %dma_wait3A_57 : memref<1x160x128xi32, #tpu.memory_space<hbm>> -> memref<160x128xi32, #tpu.memory_space<hbm>>
      tpu.wait_dma2 semaphore(%run_scoped3A : memref<!tpu.dma_semaphore, #tpu.memory_space<semaphore_mem>>) src(%dma_wait3A_58 : memref<160x128xi32, #tpu.memory_space<hbm>>) dst(%arg7 : memref<160x128xi32, #tpu.memory_space<vmem>>)
      tpu.yield
    }) : () -> ()
    "tpu.region"() ({
      %run_scoped3A = tpu.sem_alloc : memref<!tpu.dma_semaphore, #tpu.memory_space<semaphore_mem>>
      %dma_start3A_44 = arith.constant 0 : i32
      %dma_start3A_45 = arith.constant 0 : i32
      %dma_start3A_46 = tpu.memref_slice %arg4[%arg1, %dma_start3A_44, %dma_start3A_45] : memref<16x160x128xi32, #tpu.memory_space<hbm>> -> memref<1x160x128xi32, #tpu.memory_space<hbm>>
      %dma_start3A_47 = tpu.memref_squeeze %dma_start3A_46 : memref<1x160x128xi32, #tpu.memory_space<hbm>> -> memref<160x128xi32, #tpu.memory_space<hbm>>
      %dma_start3A_48 = arith.constant 0 : i32
      %dma_start3A_49 = arith.constant 0 : i32
      %dma_start3A_50 = tpu.memref_slice %arg4[%arg1, %dma_start3A_48, %dma_start3A_49] : memref<16x160x128xi32, #tpu.memory_space<hbm>> -> memref<1x160x128xi32, #tpu.memory_space<hbm>>
      %dma_start3A_51 = tpu.memref_squeeze %dma_start3A_50 : memref<1x160x128xi32, #tpu.memory_space<hbm>> -> memref<160x128xi32, #tpu.memory_space<hbm>>
      tpu.enqueue_dma source(%dma_start3A_51 : memref<160x128xi32, #tpu.memory_space<hbm>>) target(%arg8 : memref<160x128xi32, #tpu.memory_space<vmem>>) target_semaphore(%run_scoped3A : memref<!tpu.dma_semaphore, #tpu.memory_space<semaphore_mem>>)
      %dma_wait3A = arith.constant 0 : i32
      %dma_wait3A_52 = arith.constant 0 : i32
      %dma_wait3A_53 = tpu.memref_slice %arg4[%arg1, %dma_wait3A, %dma_wait3A_52] : memref<16x160x128xi32, #tpu.memory_space<hbm>> -> memref<1x160x128xi32, #tpu.memory_space<hbm>>
      %dma_wait3A_54 = tpu.memref_squeeze %dma_wait3A_53 : memref<1x160x128xi32, #tpu.memory_space<hbm>> -> memref<160x128xi32, #tpu.memory_space<hbm>>
      %dma_wait3A_55 = arith.constant 0 : i32
      %dma_wait3A_56 = arith.constant 0 : i32
      %dma_wait3A_57 = tpu.memref_slice %arg4[%arg1, %dma_wait3A_55, %dma_wait3A_56] : memref<16x160x128xi32, #tpu.memory_space<hbm>> -> memref<1x160x128xi32, #tpu.memory_space<hbm>>
      %dma_wait3A_58 = tpu.memref_squeeze %dma_wait3A_57 : memref<1x160x128xi32, #tpu.memory_space<hbm>> -> memref<160x128xi32, #tpu.memory_space<hbm>>
      tpu.wait_dma2 semaphore(%run_scoped3A : memref<!tpu.dma_semaphore, #tpu.memory_space<semaphore_mem>>) src(%dma_wait3A_58 : memref<160x128xi32, #tpu.memory_space<hbm>>) dst(%arg8 : memref<160x128xi32, #tpu.memory_space<vmem>>)
      tpu.yield
    }) : () -> ()
    %barrier3A = arith.constant 0 : index
    tpu.barrier barrier_id(%barrier3A)
    %dma_start3A = arith.constant 0 : i32
    %dma_start3A_1 = arith.constant 0 : i32
    %dma_start3A_2 = tpu.memref_slice %arg7[%dma_start3A, %dma_start3A_1] : memref<160x128xi32, #tpu.memory_space<vmem>> -> memref<1x128xi32, #tpu.memory_space<vmem>>
    %dma_start3A_3 = tpu.memref_squeeze %dma_start3A_2 : memref<1x128xi32, #tpu.memory_space<vmem>> -> memref<128xi32, #tpu.memory_space<vmem>>
    %dma_start3A_4 = arith.constant 0 : i32
    %dma_start3A_5 = arith.constant 0 : i32
    %dma_start3A_6 = tpu.memref_slice %arg2[%arg0, %dma_start3A_4, %dma_start3A_5] : memref<2x10000x64xf32, #tpu.memory_space<hbm>> -> memref<1x10000x64xf32, #tpu.memory_space<hbm>>
    %dma_start3A_7 = tpu.memref_squeeze %dma_start3A_6 : memref<1x10000x64xf32, #tpu.memory_space<hbm>> -> memref<10000x64xf32, #tpu.memory_space<hbm>>
    %dma_start3A_8 = arith.constant 0 : i32
    %dma_start3A_9 = arith.constant 0 : i32
    %dma_start3A_10 = tpu.memref_slice %dma_start3A_7[%dma_start3A_8, %dma_start3A_9] : memref<10000x64xf32, #tpu.memory_space<hbm>> -> memref<10000x64xf32, #tpu.memory_space<hbm>>
    tpu.enqueue_indirect_dma source(%dma_start3A_10 : memref<10000x64xf32, #tpu.memory_space<hbm>>) target(%arg9 : memref<128x64xf32, #tpu.memory_space<vmem>>) offsets(%dma_start3A_3 : memref<128xi32, #tpu.memory_space<vmem>>) semaphore(%arg14 : memref<!tpu.dma_semaphore, #tpu.memory_space<semaphore_mem>>)
    %dma_start3A_11 = arith.constant 1 : i32
    %dma_start3A_12 = arith.constant 0 : i32
    %dma_start3A_13 = tpu.memref_slice %arg7[%dma_start3A_11, %dma_start3A_12] : memref<160x128xi32, #tpu.memory_space<vmem>> -> memref<1x128xi32, #tpu.memory_space<vmem>>
    %dma_start3A_14 = tpu.memref_squeeze %dma_start3A_13 : memref<1x128xi32, #tpu.memory_space<vmem>> -> memref<128xi32, #tpu.memory_space<vmem>>
    %dma_start3A_15 = arith.constant 0 : i32
    %dma_start3A_16 = arith.constant 0 : i32
    %dma_start3A_17 = tpu.memref_slice %arg2[%arg0, %dma_start3A_15, %dma_start3A_16] : memref<2x10000x64xf32, #tpu.memory_space<hbm>> -> memref<1x10000x64xf32, #tpu.memory_space<hbm>>
    %dma_start3A_18 = tpu.memref_squeeze %dma_start3A_17 : memref<1x10000x64xf32, #tpu.memory_space<hbm>> -> memref<10000x64xf32, #tpu.memory_space<hbm>>
    %dma_start3A_19 = arith.constant 0 : i32
    %dma_start3A_20 = arith.constant 0 : i32
    %dma_start3A_21 = tpu.memref_slice %dma_start3A_18[%dma_start3A_19, %dma_start3A_20] : memref<10000x64xf32, #tpu.memory_space<hbm>> -> memref<10000x64xf32, #tpu.memory_space<hbm>>
    tpu.enqueue_indirect_dma source(%dma_start3A_21 : memref<10000x64xf32, #tpu.memory_space<hbm>>) target(%arg10 : memref<128x64xf32, #tpu.memory_space<vmem>>) offsets(%dma_start3A_14 : memref<128xi32, #tpu.memory_space<vmem>>) semaphore(%arg15 : memref<!tpu.dma_semaphore, #tpu.memory_space<semaphore_mem>>)
    %dma_start3A_22 = arith.constant 2 : i32
    %dma_start3A_23 = arith.constant 0 : i32
    %dma_start3A_24 = tpu.memref_slice %arg7[%dma_start3A_22, %dma_start3A_23] : memref<160x128xi32, #tpu.memory_space<vmem>> -> memref<1x128xi32, #tpu.memory_space<vmem>>
    %dma_start3A_25 = tpu.memref_squeeze %dma_start3A_24 : memref<1x128xi32, #tpu.memory_space<vmem>> -> memref<128xi32, #tpu.memory_space<vmem>>
    %dma_start3A_26 = arith.constant 0 : i32
    %dma_start3A_27 = arith.constant 0 : i32
    %dma_start3A_28 = tpu.memref_slice %arg2[%arg0, %dma_start3A_26, %dma_start3A_27] : memref<2x10000x64xf32, #tpu.memory_space<hbm>> -> memref<1x10000x64xf32, #tpu.memory_space<hbm>>
    %dma_start3A_29 = tpu.memref_squeeze %dma_start3A_28 : memref<1x10000x64xf32, #tpu.memory_space<hbm>> -> memref<10000x64xf32, #tpu.memory_space<hbm>>
    %dma_start3A_30 = arith.constant 0 : i32
    %dma_start3A_31 = arith.constant 0 : i32
    %dma_start3A_32 = tpu.memref_slice %dma_start3A_29[%dma_start3A_30, %dma_start3A_31] : memref<10000x64xf32, #tpu.memory_space<hbm>> -> memref<10000x64xf32, #tpu.memory_space<hbm>>
    tpu.enqueue_indirect_dma source(%dma_start3A_32 : memref<10000x64xf32, #tpu.memory_space<hbm>>) target(%arg11 : memref<128x64xf32, #tpu.memory_space<vmem>>) offsets(%dma_start3A_25 : memref<128xi32, #tpu.memory_space<vmem>>) semaphore(%arg16 : memref<!tpu.dma_semaphore, #tpu.memory_space<semaphore_mem>>)
    %scan3A = arith.constant 0 : i32
    %scan3A_33 = arith.constant 40 : i32
    %scan3A_34 = arith.addi %scan3A, %scan3A_33 : i32
    %scan3A_35 = arith.constant 1 : i32
    scf.for %scan3A_44 = %scan3A to %scan3A_34 step %scan3A_35  : i32 {
      %mul3A_45 = arith.constant 4 : i32
      %mul3A_46 = arith.muli %scan3A_44, %mul3A_45 : i32
      %add3A = arith.constant 0 : i32
      %add3A_47 = arith.addi %add3A, %mul3A_46 : i32
      %add3A_48 = arith.constant 0 : i32
      %add3A_49 = arith.addi %add3A_47, %add3A_48 : i32
      %dma_wait3A = arith.constant 0 : i32
      %dma_wait3A_50 = arith.constant 0 : i32
      %dma_wait3A_51 = tpu.memref_slice %arg7[%dma_wait3A, %dma_wait3A_50] : memref<160x128xi32, #tpu.memory_space<vmem>> -> memref<1x128xi32, #tpu.memory_space<vmem>>
      %dma_wait3A_52 = tpu.memref_squeeze %dma_wait3A_51 : memref<1x128xi32, #tpu.memory_space<vmem>> -> memref<128xi32, #tpu.memory_space<vmem>>
      %dma_wait3A_53 = arith.constant 0 : i32
      %dma_wait3A_54 = arith.constant 0 : i32
      %dma_wait3A_55 = tpu.memref_slice %arg2[%arg0, %dma_wait3A_53, %dma_wait3A_54] : memref<2x10000x64xf32, #tpu.memory_space<hbm>> -> memref<1x10000x64xf32, #tpu.memory_space<hbm>>
      %dma_wait3A_56 = tpu.memref_squeeze %dma_wait3A_55 : memref<1x10000x64xf32, #tpu.memory_space<hbm>> -> memref<10000x64xf32, #tpu.memory_space<hbm>>
      %dma_wait3A_57 = arith.constant 0 : i32
      %dma_wait3A_58 = arith.constant 0 : i32
      %dma_wait3A_59 = tpu.memref_slice %dma_wait3A_56[%dma_wait3A_57, %dma_wait3A_58] : memref<10000x64xf32, #tpu.memory_space<hbm>> -> memref<10000x64xf32, #tpu.memory_space<hbm>>
      tpu.wait_indirect_dma semaphore(%arg14 : memref<!tpu.dma_semaphore, #tpu.memory_space<semaphore_mem>>) src(%dma_wait3A_59 : memref<10000x64xf32, #tpu.memory_space<hbm>>) dst(%arg9 : memref<128x64xf32, #tpu.memory_space<vmem>>)
      %add3A_60 = arith.constant 3 : i32
      %add3A_61 = arith.addi %add3A_49, %add3A_60 : i32
      %lt3A = arith.constant 160 : i32
      %lt3A_62 = arith.cmpi slt, %add3A_61, %lt3A : i32
      %convert_element_type3A_63 = arith.extui %lt3A_62 : i1 to i32
      %cond3A_64 = arith.constant 0 : i32
      %cond3A_65 = arith.cmpi ne, %convert_element_type3A_63, %cond3A_64 : i32
      scf.if %cond3A_65 {
        %add3A_126 = arith.constant 3 : i32
        %add3A_127 = arith.addi %add3A_49, %add3A_126 : i32
        %dma_start3A_128 = arith.constant 0 : i32
        %dma_start3A_129 = tpu.memref_slice %arg7[%add3A_127, %dma_start3A_128] : memref<160x128xi32, #tpu.memory_space<vmem>> -> memref<1x128xi32, #tpu.memory_space<vmem>>
        %dma_start3A_130 = tpu.memref_squeeze %dma_start3A_129 : memref<1x128xi32, #tpu.memory_space<vmem>> -> memref<128xi32, #tpu.memory_space<vmem>>
        %dma_start3A_131 = arith.constant 0 : i32
        %dma_start3A_132 = arith.constant 0 : i32
        %dma_start3A_133 = tpu.memref_slice %arg2[%arg0, %dma_start3A_131, %dma_start3A_132] : memref<2x10000x64xf32, #tpu.memory_space<hbm>> -> memref<1x10000x64xf32, #tpu.memory_space<hbm>>
        %dma_start3A_134 = tpu.memref_squeeze %dma_start3A_133 : memref<1x10000x64xf32, #tpu.memory_space<hbm>> -> memref<10000x64xf32, #tpu.memory_space<hbm>>
        %dma_start3A_135 = arith.constant 0 : i32
        %dma_start3A_136 = arith.constant 0 : i32
        %dma_start3A_137 = tpu.memref_slice %dma_start3A_134[%dma_start3A_135, %dma_start3A_136] : memref<10000x64xf32, #tpu.memory_space<hbm>> -> memref<10000x64xf32, #tpu.memory_space<hbm>>
        tpu.enqueue_indirect_dma source(%dma_start3A_137 : memref<10000x64xf32, #tpu.memory_space<hbm>>) target(%arg12 : memref<128x64xf32, #tpu.memory_space<vmem>>) offsets(%dma_start3A_130 : memref<128xi32, #tpu.memory_space<vmem>>) semaphore(%arg17 : memref<!tpu.dma_semaphore, #tpu.memory_space<semaphore_mem>>)
      } else {
      }
      "tpu.region"() ({
        %run_scoped3A = tpu.sem_alloc : memref<!tpu.dma_semaphore, #tpu.memory_space<semaphore_mem>>
        %dma_start3A_126 = arith.constant 0 : i32
        %dma_start3A_127 = tpu.memref_slice %arg8[%add3A_49, %dma_start3A_126] : memref<160x128xi32, #tpu.memory_space<vmem>> -> memref<1x128xi32, #tpu.memory_space<vmem>>
        %dma_start3A_128 = tpu.memref_squeeze %dma_start3A_127 : memref<1x128xi32, #tpu.memory_space<vmem>> -> memref<128xi32, #tpu.memory_space<vmem>>
        %dma_start3A_129 = arith.constant 0 : i32
        %dma_start3A_130 = arith.constant 0 : i32
        %dma_start3A_131 = tpu.memref_slice %arg13[%dma_start3A_129, %dma_start3A_130] : memref<10112x64xf32, #tpu.memory_space<vmem_shared>> -> memref<10112x64xf32, #tpu.memory_space<vmem_shared>>
        tpu.enqueue_indirect_dma source(%arg9 : memref<128x64xf32, #tpu.memory_space<vmem>>) target(%dma_start3A_131 : memref<10112x64xf32, #tpu.memory_space<vmem_shared>>) offsets(%dma_start3A_128 : memref<128xi32, #tpu.memory_space<vmem>>) semaphore(%run_scoped3A : memref<!tpu.dma_semaphore, #tpu.memory_space<semaphore_mem>>) {add = true}
        %dma_wait3A_132 = arith.constant 0 : i32
        %dma_wait3A_133 = tpu.memref_slice %arg8[%add3A_49, %dma_wait3A_132] : memref<160x128xi32, #tpu.memory_space<vmem>> -> memref<1x128xi32, #tpu.memory_space<vmem>>
        %dma_wait3A_134 = tpu.memref_squeeze %dma_wait3A_133 : memref<1x128xi32, #tpu.memory_space<vmem>> -> memref<128xi32, #tpu.memory_space<vmem>>
        %dma_wait3A_135 = arith.constant 0 : i32
        %dma_wait3A_136 = arith.constant 0 : i32
        %dma_wait3A_137 = tpu.memref_slice %arg13[%dma_wait3A_135, %dma_wait3A_136] : memref<10112x64xf32, #tpu.memory_space<vmem_shared>> -> memref<10112x64xf32, #tpu.memory_space<vmem_shared>>
        tpu.wait_indirect_dma semaphore(%run_scoped3A : memref<!tpu.dma_semaphore, #tpu.memory_space<semaphore_mem>>) src(%arg9 : memref<128x64xf32, #tpu.memory_space<vmem>>) dst(%dma_wait3A_137 : memref<10112x64xf32, #tpu.memory_space<vmem_shared>>)
        tpu.yield
      }) : () -> ()
      %add3A_66 = arith.constant 1 : i32
      %add3A_67 = arith.addi %add3A_47, %add3A_66 : i32
      %dma_wait3A_68 = arith.constant 0 : i32
      %dma_wait3A_69 = arith.constant 0 : i32
      %dma_wait3A_70 = tpu.memref_slice %arg7[%dma_wait3A_68, %dma_wait3A_69] : memref<160x128xi32, #tpu.memory_space<vmem>> -> memref<1x128xi32, #tpu.memory_space<vmem>>
      %dma_wait3A_71 = tpu.memref_squeeze %dma_wait3A_70 : memref<1x128xi32, #tpu.memory_space<vmem>> -> memref<128xi32, #tpu.memory_space<vmem>>
      %dma_wait3A_72 = arith.constant 0 : i32
      %dma_wait3A_73 = arith.constant 0 : i32
      %dma_wait3A_74 = tpu.memref_slice %arg2[%arg0, %dma_wait3A_72, %dma_wait3A_73] : memref<2x10000x64xf32, #tpu.memory_space<hbm>> -> memref<1x10000x64xf32, #tpu.memory_space<hbm>>
      %dma_wait3A_75 = tpu.memref_squeeze %dma_wait3A_74 : memref<1x10000x64xf32, #tpu.memory_space<hbm>> -> memref<10000x64xf32, #tpu.memory_space<hbm>>
      %dma_wait3A_76 = arith.constant 0 : i32
      %dma_wait3A_77 = arith.constant 0 : i32
      %dma_wait3A_78 = tpu.memref_slice %dma_wait3A_75[%dma_wait3A_76, %dma_wait3A_77] : memref<10000x64xf32, #tpu.memory_space<hbm>> -> memref<10000x64xf32, #tpu.memory_space<hbm>>
      tpu.wait_indirect_dma semaphore(%arg15 : memref<!tpu.dma_semaphore, #tpu.memory_space<semaphore_mem>>) src(%dma_wait3A_78 : memref<10000x64xf32, #tpu.memory_space<hbm>>) dst(%arg10 : memref<128x64xf32, #tpu.memory_space<vmem>>)
      %add3A_79 = arith.constant 3 : i32
      %add3A_80 = arith.addi %add3A_67, %add3A_79 : i32
      %lt3A_81 = arith.constant 160 : i32
      %lt3A_82 = arith.cmpi slt, %add3A_80, %lt3A_81 : i32
      %convert_element_type3A_83 = arith.extui %lt3A_82 : i1 to i32
      %cond3A_84 = arith.constant 0 : i32
      %cond3A_85 = arith.cmpi ne, %convert_element_type3A_83, %cond3A_84 : i32
      scf.if %cond3A_85 {
        %add3A_126 = arith.constant 3 : i32
        %add3A_127 = arith.addi %add3A_67, %add3A_126 : i32
        %dma_start3A_128 = arith.constant 0 : i32
        %dma_start3A_129 = tpu.memref_slice %arg7[%add3A_127, %dma_start3A_128] : memref<160x128xi32, #tpu.memory_space<vmem>> -> memref<1x128xi32, #tpu.memory_space<vmem>>
        %dma_start3A_130 = tpu.memref_squeeze %dma_start3A_129 : memref<1x128xi32, #tpu.memory_space<vmem>> -> memref<128xi32, #tpu.memory_space<vmem>>
        %dma_start3A_131 = arith.constant 0 : i32
        %dma_start3A_132 = arith.constant 0 : i32
        %dma_start3A_133 = tpu.memref_slice %arg2[%arg0, %dma_start3A_131, %dma_start3A_132] : memref<2x10000x64xf32, #tpu.memory_space<hbm>> -> memref<1x10000x64xf32, #tpu.memory_space<hbm>>
        %dma_start3A_134 = tpu.memref_squeeze %dma_start3A_133 : memref<1x10000x64xf32, #tpu.memory_space<hbm>> -> memref<10000x64xf32, #tpu.memory_space<hbm>>
        %dma_start3A_135 = arith.constant 0 : i32
        %dma_start3A_136 = arith.constant 0 : i32
        %dma_start3A_137 = tpu.memref_slice %dma_start3A_134[%dma_start3A_135, %dma_start3A_136] : memref<10000x64xf32, #tpu.memory_space<hbm>> -> memref<10000x64xf32, #tpu.memory_space<hbm>>
        tpu.enqueue_indirect_dma source(%dma_start3A_137 : memref<10000x64xf32, #tpu.memory_space<hbm>>) target(%arg9 : memref<128x64xf32, #tpu.memory_space<vmem>>) offsets(%dma_start3A_130 : memref<128xi32, #tpu.memory_space<vmem>>) semaphore(%arg14 : memref<!tpu.dma_semaphore, #tpu.memory_space<semaphore_mem>>)
      } else {
      }
      "tpu.region"() ({
        %run_scoped3A = tpu.sem_alloc : memref<!tpu.dma_semaphore, #tpu.memory_space<semaphore_mem>>
        %dma_start3A_126 = arith.constant 0 : i32
        %dma_start3A_127 = tpu.memref_slice %arg8[%add3A_67, %dma_start3A_126] : memref<160x128xi32, #tpu.memory_space<vmem>> -> memref<1x128xi32, #tpu.memory_space<vmem>>
        %dma_start3A_128 = tpu.memref_squeeze %dma_start3A_127 : memref<1x128xi32, #tpu.memory_space<vmem>> -> memref<128xi32, #tpu.memory_space<vmem>>
        %dma_start3A_129 = arith.constant 0 : i32
        %dma_start3A_130 = arith.constant 0 : i32
        %dma_start3A_131 = tpu.memref_slice %arg13[%dma_start3A_129, %dma_start3A_130] : memref<10112x64xf32, #tpu.memory_space<vmem_shared>> -> memref<10112x64xf32, #tpu.memory_space<vmem_shared>>
        tpu.enqueue_indirect_dma source(%arg10 : memref<128x64xf32, #tpu.memory_space<vmem>>) target(%dma_start3A_131 : memref<10112x64xf32, #tpu.memory_space<vmem_shared>>) offsets(%dma_start3A_128 : memref<128xi32, #tpu.memory_space<vmem>>) semaphore(%run_scoped3A : memref<!tpu.dma_semaphore, #tpu.memory_space<semaphore_mem>>) {add = true}
        %dma_wait3A_132 = arith.constant 0 : i32
        %dma_wait3A_133 = tpu.memref_slice %arg8[%add3A_67, %dma_wait3A_132] : memref<160x128xi32, #tpu.memory_space<vmem>> -> memref<1x128xi32, #tpu.memory_space<vmem>>
        %dma_wait3A_134 = tpu.memref_squeeze %dma_wait3A_133 : memref<1x128xi32, #tpu.memory_space<vmem>> -> memref<128xi32, #tpu.memory_space<vmem>>
        %dma_wait3A_135 = arith.constant 0 : i32
        %dma_wait3A_136 = arith.constant 0 : i32
        %dma_wait3A_137 = tpu.memref_slice %arg13[%dma_wait3A_135, %dma_wait3A_136] : memref<10112x64xf32, #tpu.memory_space<vmem_shared>> -> memref<10112x64xf32, #tpu.memory_space<vmem_shared>>
        tpu.wait_indirect_dma semaphore(%run_scoped3A : memref<!tpu.dma_semaphore, #tpu.memory_space<semaphore_mem>>) src(%arg10 : memref<128x64xf32, #tpu.memory_space<vmem>>) dst(%dma_wait3A_137 : memref<10112x64xf32, #tpu.memory_space<vmem_shared>>)
        tpu.yield
      }) : () -> ()
      %add3A_86 = arith.constant 2 : i32
      %add3A_87 = arith.addi %add3A_47, %add3A_86 : i32
      %dma_wait3A_88 = arith.constant 0 : i32
      %dma_wait3A_89 = arith.constant 0 : i32
      %dma_wait3A_90 = tpu.memref_slice %arg7[%dma_wait3A_88, %dma_wait3A_89] : memref<160x128xi32, #tpu.memory_space<vmem>> -> memref<1x128xi32, #tpu.memory_space<vmem>>
      %dma_wait3A_91 = tpu.memref_squeeze %dma_wait3A_90 : memref<1x128xi32, #tpu.memory_space<vmem>> -> memref<128xi32, #tpu.memory_space<vmem>>
      %dma_wait3A_92 = arith.constant 0 : i32
      %dma_wait3A_93 = arith.constant 0 : i32
      %dma_wait3A_94 = tpu.memref_slice %arg2[%arg0, %dma_wait3A_92, %dma_wait3A_93] : memref<2x10000x64xf32, #tpu.memory_space<hbm>> -> memref<1x10000x64xf32, #tpu.memory_space<hbm>>
      %dma_wait3A_95 = tpu.memref_squeeze %dma_wait3A_94 : memref<1x10000x64xf32, #tpu.memory_space<hbm>> -> memref<10000x64xf32, #tpu.memory_space<hbm>>
      %dma_wait3A_96 = arith.constant 0 : i32
      %dma_wait3A_97 = arith.constant 0 : i32
      %dma_wait3A_98 = tpu.memref_slice %dma_wait3A_95[%dma_wait3A_96, %dma_wait3A_97] : memref<10000x64xf32, #tpu.memory_space<hbm>> -> memref<10000x64xf32, #tpu.memory_space<hbm>>
      tpu.wait_indirect_dma semaphore(%arg16 : memref<!tpu.dma_semaphore, #tpu.memory_space<semaphore_mem>>) src(%dma_wait3A_98 : memref<10000x64xf32, #tpu.memory_space<hbm>>) dst(%arg11 : memref<128x64xf32, #tpu.memory_space<vmem>>)
      %add3A_99 = arith.constant 3 : i32
      %add3A_100 = arith.addi %add3A_87, %add3A_99 : i32
      %lt3A_101 = arith.constant 160 : i32
      %lt3A_102 = arith.cmpi slt, %add3A_100, %lt3A_101 : i32
      %convert_element_type3A_103 = arith.extui %lt3A_102 : i1 to i32
      %cond3A_104 = arith.constant 0 : i32
      %cond3A_105 = arith.cmpi ne, %convert_element_type3A_103, %cond3A_104 : i32
      scf.if %cond3A_105 {
        %add3A_126 = arith.constant 3 : i32
        %add3A_127 = arith.addi %add3A_87, %add3A_126 : i32
        %dma_start3A_128 = arith.constant 0 : i32
        %dma_start3A_129 = tpu.memref_slice %arg7[%add3A_127, %dma_start3A_128] : memref<160x128xi32, #tpu.memory_space<vmem>> -> memref<1x128xi32, #tpu.memory_space<vmem>>
        %dma_start3A_130 = tpu.memref_squeeze %dma_start3A_129 : memref<1x128xi32, #tpu.memory_space<vmem>> -> memref<128xi32, #tpu.memory_space<vmem>>
        %dma_start3A_131 = arith.constant 0 : i32
        %dma_start3A_132 = arith.constant 0 : i32
        %dma_start3A_133 = tpu.memref_slice %arg2[%arg0, %dma_start3A_131, %dma_start3A_132] : memref<2x10000x64xf32, #tpu.memory_space<hbm>> -> memref<1x10000x64xf32, #tpu.memory_space<hbm>>
        %dma_start3A_134 = tpu.memref_squeeze %dma_start3A_133 : memref<1x10000x64xf32, #tpu.memory_space<hbm>> -> memref<10000x64xf32, #tpu.memory_space<hbm>>
        %dma_start3A_135 = arith.constant 0 : i32
        %dma_start3A_136 = arith.constant 0 : i32
        %dma_start3A_137 = tpu.memref_slice %dma_start3A_134[%dma_start3A_135, %dma_start3A_136] : memref<10000x64xf32, #tpu.memory_space<hbm>> -> memref<10000x64xf32, #tpu.memory_space<hbm>>
        tpu.enqueue_indirect_dma source(%dma_start3A_137 : memref<10000x64xf32, #tpu.memory_space<hbm>>) target(%arg10 : memref<128x64xf32, #tpu.memory_space<vmem>>) offsets(%dma_start3A_130 : memref<128xi32, #tpu.memory_space<vmem>>) semaphore(%arg15 : memref<!tpu.dma_semaphore, #tpu.memory_space<semaphore_mem>>)
      } else {
      }
      "tpu.region"() ({
        %run_scoped3A = tpu.sem_alloc : memref<!tpu.dma_semaphore, #tpu.memory_space<semaphore_mem>>
        %dma_start3A_126 = arith.constant 0 : i32
        %dma_start3A_127 = tpu.memref_slice %arg8[%add3A_87, %dma_start3A_126] : memref<160x128xi32, #tpu.memory_space<vmem>> -> memref<1x128xi32, #tpu.memory_space<vmem>>
        %dma_start3A_128 = tpu.memref_squeeze %dma_start3A_127 : memref<1x128xi32, #tpu.memory_space<vmem>> -> memref<128xi32, #tpu.memory_space<vmem>>
        %dma_start3A_129 = arith.constant 0 : i32
        %dma_start3A_130 = arith.constant 0 : i32
        %dma_start3A_131 = tpu.memref_slice %arg13[%dma_start3A_129, %dma_start3A_130] : memref<10112x64xf32, #tpu.memory_space<vmem_shared>> -> memref<10112x64xf32, #tpu.memory_space<vmem_shared>>
        tpu.enqueue_indirect_dma source(%arg11 : memref<128x64xf32, #tpu.memory_space<vmem>>) target(%dma_start3A_131 : memref<10112x64xf32, #tpu.memory_space<vmem_shared>>) offsets(%dma_start3A_128 : memref<128xi32, #tpu.memory_space<vmem>>) semaphore(%run_scoped3A : memref<!tpu.dma_semaphore, #tpu.memory_space<semaphore_mem>>) {add = true}
        %dma_wait3A_132 = arith.constant 0 : i32
        %dma_wait3A_133 = tpu.memref_slice %arg8[%add3A_87, %dma_wait3A_132] : memref<160x128xi32, #tpu.memory_space<vmem>> -> memref<1x128xi32, #tpu.memory_space<vmem>>
        %dma_wait3A_134 = tpu.memref_squeeze %dma_wait3A_133 : memref<1x128xi32, #tpu.memory_space<vmem>> -> memref<128xi32, #tpu.memory_space<vmem>>
        %dma_wait3A_135 = arith.constant 0 : i32
        %dma_wait3A_136 = arith.constant 0 : i32
        %dma_wait3A_137 = tpu.memref_slice %arg13[%dma_wait3A_135, %dma_wait3A_136] : memref<10112x64xf32, #tpu.memory_space<vmem_shared>> -> memref<10112x64xf32, #tpu.memory_space<vmem_shared>>
        tpu.wait_indirect_dma semaphore(%run_scoped3A : memref<!tpu.dma_semaphore, #tpu.memory_space<semaphore_mem>>) src(%arg11 : memref<128x64xf32, #tpu.memory_space<vmem>>) dst(%dma_wait3A_137 : memref<10112x64xf32, #tpu.memory_space<vmem_shared>>)
        tpu.yield
      }) : () -> ()
      %add3A_106 = arith.constant 3 : i32
      %add3A_107 = arith.addi %add3A_47, %add3A_106 : i32
      %dma_wait3A_108 = arith.constant 0 : i32
      %dma_wait3A_109 = arith.constant 0 : i32
      %dma_wait3A_110 = tpu.memref_slice %arg7[%dma_wait3A_108, %dma_wait3A_109] : memref<160x128xi32, #tpu.memory_space<vmem>> -> memref<1x128xi32, #tpu.memory_space<vmem>>
      %dma_wait3A_111 = tpu.memref_squeeze %dma_wait3A_110 : memref<1x128xi32, #tpu.memory_space<vmem>> -> memref<128xi32, #tpu.memory_space<vmem>>
      %dma_wait3A_112 = arith.constant 0 : i32
      %dma_wait3A_113 = arith.constant 0 : i32
      %dma_wait3A_114 = tpu.memref_slice %arg2[%arg0, %dma_wait3A_112, %dma_wait3A_113] : memref<2x10000x64xf32, #tpu.memory_space<hbm>> -> memref<1x10000x64xf32, #tpu.memory_space<hbm>>
      %dma_wait3A_115 = tpu.memref_squeeze %dma_wait3A_114 : memref<1x10000x64xf32, #tpu.memory_space<hbm>> -> memref<10000x64xf32, #tpu.memory_space<hbm>>
      %dma_wait3A_116 = arith.constant 0 : i32
      %dma_wait3A_117 = arith.constant 0 : i32
      %dma_wait3A_118 = tpu.memref_slice %dma_wait3A_115[%dma_wait3A_116, %dma_wait3A_117] : memref<10000x64xf32, #tpu.memory_space<hbm>> -> memref<10000x64xf32, #tpu.memory_space<hbm>>
      tpu.wait_indirect_dma semaphore(%arg17 : memref<!tpu.dma_semaphore, #tpu.memory_space<semaphore_mem>>) src(%dma_wait3A_118 : memref<10000x64xf32, #tpu.memory_space<hbm>>) dst(%arg12 : memref<128x64xf32, #tpu.memory_space<vmem>>)
      %add3A_119 = arith.constant 3 : i32
      %add3A_120 = arith.addi %add3A_107, %add3A_119 : i32
      %lt3A_121 = arith.constant 160 : i32
      %lt3A_122 = arith.cmpi slt, %add3A_120, %lt3A_121 : i32
      %convert_element_type3A_123 = arith.extui %lt3A_122 : i1 to i32
      %cond3A_124 = arith.constant 0 : i32
      %cond3A_125 = arith.cmpi ne, %convert_element_type3A_123, %cond3A_124 : i32
      scf.if %cond3A_125 {
        %add3A_126 = arith.constant 3 : i32
        %add3A_127 = arith.addi %add3A_107, %add3A_126 : i32
        %dma_start3A_128 = arith.constant 0 : i32
        %dma_start3A_129 = tpu.memref_slice %arg7[%add3A_127, %dma_start3A_128] : memref<160x128xi32, #tpu.memory_space<vmem>> -> memref<1x128xi32, #tpu.memory_space<vmem>>
        %dma_start3A_130 = tpu.memref_squeeze %dma_start3A_129 : memref<1x128xi32, #tpu.memory_space<vmem>> -> memref<128xi32, #tpu.memory_space<vmem>>
        %dma_start3A_131 = arith.constant 0 : i32
        %dma_start3A_132 = arith.constant 0 : i32
        %dma_start3A_133 = tpu.memref_slice %arg2[%arg0, %dma_start3A_131, %dma_start3A_132] : memref<2x10000x64xf32, #tpu.memory_space<hbm>> -> memref<1x10000x64xf32, #tpu.memory_space<hbm>>
        %dma_start3A_134 = tpu.memref_squeeze %dma_start3A_133 : memref<1x10000x64xf32, #tpu.memory_space<hbm>> -> memref<10000x64xf32, #tpu.memory_space<hbm>>
        %dma_start3A_135 = arith.constant 0 : i32
        %dma_start3A_136 = arith.constant 0 : i32
        %dma_start3A_137 = tpu.memref_slice %dma_start3A_134[%dma_start3A_135, %dma_start3A_136] : memref<10000x64xf32, #tpu.memory_space<hbm>> -> memref<10000x64xf32, #tpu.memory_space<hbm>>
        tpu.enqueue_indirect_dma source(%dma_start3A_137 : memref<10000x64xf32, #tpu.memory_space<hbm>>) target(%arg11 : memref<128x64xf32, #tpu.memory_space<vmem>>) offsets(%dma_start3A_130 : memref<128xi32, #tpu.memory_space<vmem>>) semaphore(%arg16 : memref<!tpu.dma_semaphore, #tpu.memory_space<semaphore_mem>>)
      } else {
      }
      "tpu.region"() ({
        %run_scoped3A = tpu.sem_alloc : memref<!tpu.dma_semaphore, #tpu.memory_space<semaphore_mem>>
        %dma_start3A_126 = arith.constant 0 : i32
        %dma_start3A_127 = tpu.memref_slice %arg8[%add3A_107, %dma_start3A_126] : memref<160x128xi32, #tpu.memory_space<vmem>> -> memref<1x128xi32, #tpu.memory_space<vmem>>
        %dma_start3A_128 = tpu.memref_squeeze %dma_start3A_127 : memref<1x128xi32, #tpu.memory_space<vmem>> -> memref<128xi32, #tpu.memory_space<vmem>>
        %dma_start3A_129 = arith.constant 0 : i32
        %dma_start3A_130 = arith.constant 0 : i32
        %dma_start3A_131 = tpu.memref_slice %arg13[%dma_start3A_129, %dma_start3A_130] : memref<10112x64xf32, #tpu.memory_space<vmem_shared>> -> memref<10112x64xf32, #tpu.memory_space<vmem_shared>>
        tpu.enqueue_indirect_dma source(%arg12 : memref<128x64xf32, #tpu.memory_space<vmem>>) target(%dma_start3A_131 : memref<10112x64xf32, #tpu.memory_space<vmem_shared>>) offsets(%dma_start3A_128 : memref<128xi32, #tpu.memory_space<vmem>>) semaphore(%run_scoped3A : memref<!tpu.dma_semaphore, #tpu.memory_space<semaphore_mem>>) {add = true}
        %dma_wait3A_132 = arith.constant 0 : i32
        %dma_wait3A_133 = tpu.memref_slice %arg8[%add3A_107, %dma_wait3A_132] : memref<160x128xi32, #tpu.memory_space<vmem>> -> memref<1x128xi32, #tpu.memory_space<vmem>>
        %dma_wait3A_134 = tpu.memref_squeeze %dma_wait3A_133 : memref<1x128xi32, #tpu.memory_space<vmem>> -> memref<128xi32, #tpu.memory_space<vmem>>
        %dma_wait3A_135 = arith.constant 0 : i32
        %dma_wait3A_136 = arith.constant 0 : i32
        %dma_wait3A_137 = tpu.memref_slice %arg13[%dma_wait3A_135, %dma_wait3A_136] : memref<10112x64xf32, #tpu.memory_space<vmem_shared>> -> memref<10112x64xf32, #tpu.memory_space<vmem_shared>>
        tpu.wait_indirect_dma semaphore(%run_scoped3A : memref<!tpu.dma_semaphore, #tpu.memory_space<semaphore_mem>>) src(%arg12 : memref<128x64xf32, #tpu.memory_space<vmem>>) dst(%dma_wait3A_137 : memref<10112x64xf32, #tpu.memory_space<vmem_shared>>)
        tpu.yield
      }) : () -> ()
    }
    %scan3A_36 = arith.constant 40 : i32
    %barrier3A_37 = arith.constant 0 : index
    tpu.barrier barrier_id(%barrier3A_37)
    %mul3A_38 = arith.constant 624 : i32
    %mul3A_39 = arith.muli %arg1, %mul3A_38 : i32
    %mul3A_40 = arith.constant 624 : i32
    %mul3A_41 = arith.muli %arg1, %mul3A_40 : i32
    "tpu.region"() ({
      %run_scoped3A = tpu.sem_alloc : memref<!tpu.dma_semaphore, #tpu.memory_space<semaphore_mem>>
      %dma_start3A_44 = arith.constant 0 : i32
      %dma_start3A_45 = arith.constant 0 : i32
      %dma_start3A_46 = tpu.memref_slice %arg6[%arg0, %dma_start3A_44, %dma_start3A_45] : memref<2x10000x64xf32, #tpu.memory_space<hbm>> -> memref<1x10000x64xf32, #tpu.memory_space<hbm>>
      %dma_start3A_47 = tpu.memref_squeeze %dma_start3A_46 : memref<1x10000x64xf32, #tpu.memory_space<hbm>> -> memref<10000x64xf32, #tpu.memory_space<hbm>>
      %dma_start3A_48 = arith.constant 0 : i32
      %dma_start3A_49 = tpu.memref_slice %dma_start3A_47[%mul3A_41, %dma_start3A_48] : memref<10000x64xf32, #tpu.memory_space<hbm>> -> memref<624x64xf32, #tpu.memory_space<hbm>>
      %dma_start3A_50 = arith.constant 0 : i32
      %dma_start3A_51 = tpu.memref_slice %arg13[%mul3A_39, %dma_start3A_50] : memref<10112x64xf32, #tpu.memory_space<vmem_shared>> -> memref<624x64xf32, #tpu.memory_space<vmem_shared>>
      tpu.enqueue_dma source(%dma_start3A_51 : memref<624x64xf32, #tpu.memory_space<vmem_shared>>) target(%dma_start3A_49 : memref<624x64xf32, #tpu.memory_space<hbm>>) target_semaphore(%run_scoped3A : memref<!tpu.dma_semaphore, #tpu.memory_space<semaphore_mem>>)
      %dma_wait3A = arith.constant 0 : i32
      %dma_wait3A_52 = arith.constant 0 : i32
      %dma_wait3A_53 = tpu.memref_slice %arg6[%arg0, %dma_wait3A, %dma_wait3A_52] : memref<2x10000x64xf32, #tpu.memory_space<hbm>> -> memref<1x10000x64xf32, #tpu.memory_space<hbm>>
      %dma_wait3A_54 = tpu.memref_squeeze %dma_wait3A_53 : memref<1x10000x64xf32, #tpu.memory_space<hbm>> -> memref<10000x64xf32, #tpu.memory_space<hbm>>
      %dma_wait3A_55 = arith.constant 0 : i32
      %dma_wait3A_56 = tpu.memref_slice %dma_wait3A_54[%mul3A_41, %dma_wait3A_55] : memref<10000x64xf32, #tpu.memory_space<hbm>> -> memref<624x64xf32, #tpu.memory_space<hbm>>
      %dma_wait3A_57 = arith.constant 0 : i32
      %dma_wait3A_58 = tpu.memref_slice %arg13[%mul3A_39, %dma_wait3A_57] : memref<10112x64xf32, #tpu.memory_space<vmem_shared>> -> memref<624x64xf32, #tpu.memory_space<vmem_shared>>
      tpu.wait_dma2 semaphore(%run_scoped3A : memref<!tpu.dma_semaphore, #tpu.memory_space<semaphore_mem>>) src(%dma_wait3A_58 : memref<624x64xf32, #tpu.memory_space<vmem_shared>>) dst(%dma_wait3A_56 : memref<624x64xf32, #tpu.memory_space<hbm>>)
      tpu.yield
    }) : () -> ()
    %eq3A = arith.constant 15 : i32
    %eq3A_42 = arith.cmpi eq, %arg1, %eq3A : i32
    %convert_element_type3A = arith.extui %eq3A_42 : i1 to i32
    %cond3A = arith.constant 0 : i32
    %cond3A_43 = arith.cmpi ne, %convert_element_type3A, %cond3A : i32
    scf.if %cond3A_43 {
      "tpu.region"() ({
        %run_scoped3A = tpu.sem_alloc : memref<!tpu.dma_semaphore, #tpu.memory_space<semaphore_mem>>
        %dma_start3A_44 = arith.constant 0 : i32
        %dma_start3A_45 = arith.constant 0 : i32
        %dma_start3A_46 = tpu.memref_slice %arg6[%arg0, %dma_start3A_44, %dma_start3A_45] : memref<2x10000x64xf32, #tpu.memory_space<hbm>> -> memref<1x10000x64xf32, #tpu.memory_space<hbm>>
        %dma_start3A_47 = tpu.memref_squeeze %dma_start3A_46 : memref<1x10000x64xf32, #tpu.memory_space<hbm>> -> memref<10000x64xf32, #tpu.memory_space<hbm>>
        %dma_start3A_48 = arith.constant 9984 : i32
        %dma_start3A_49 = arith.constant 0 : i32
        %dma_start3A_50 = tpu.memref_slice %dma_start3A_47[%dma_start3A_48, %dma_start3A_49] : memref<10000x64xf32, #tpu.memory_space<hbm>> -> memref<16x64xf32, #tpu.memory_space<hbm>>
        %dma_start3A_51 = arith.constant 9984 : i32
        %dma_start3A_52 = arith.constant 0 : i32
        %dma_start3A_53 = tpu.memref_slice %arg13[%dma_start3A_51, %dma_start3A_52] : memref<10112x64xf32, #tpu.memory_space<vmem_shared>> -> memref<16x64xf32, #tpu.memory_space<vmem_shared>>
        tpu.enqueue_dma source(%dma_start3A_53 : memref<16x64xf32, #tpu.memory_space<vmem_shared>>) target(%dma_start3A_50 : memref<16x64xf32, #tpu.memory_space<hbm>>) target_semaphore(%run_scoped3A : memref<!tpu.dma_semaphore, #tpu.memory_space<semaphore_mem>>)
        %dma_wait3A = arith.constant 0 : i32
        %dma_wait3A_54 = arith.constant 0 : i32
        %dma_wait3A_55 = tpu.memref_slice %arg6[%arg0, %dma_wait3A, %dma_wait3A_54] : memref<2x10000x64xf32, #tpu.memory_space<hbm>> -> memref<1x10000x64xf32, #tpu.memory_space<hbm>>
        %dma_wait3A_56 = tpu.memref_squeeze %dma_wait3A_55 : memref<1x10000x64xf32, #tpu.memory_space<hbm>> -> memref<10000x64xf32, #tpu.memory_space<hbm>>
        %dma_wait3A_57 = arith.constant 9984 : i32
        %dma_wait3A_58 = arith.constant 0 : i32
        %dma_wait3A_59 = tpu.memref_slice %dma_wait3A_56[%dma_wait3A_57, %dma_wait3A_58] : memref<10000x64xf32, #tpu.memory_space<hbm>> -> memref<16x64xf32, #tpu.memory_space<hbm>>
        %dma_wait3A_60 = arith.constant 9984 : i32
        %dma_wait3A_61 = arith.constant 0 : i32
        %dma_wait3A_62 = tpu.memref_slice %arg13[%dma_wait3A_60, %dma_wait3A_61] : memref<10112x64xf32, #tpu.memory_space<vmem_shared>> -> memref<16x64xf32, #tpu.memory_space<vmem_shared>>
        tpu.wait_dma2 semaphore(%run_scoped3A : memref<!tpu.dma_semaphore, #tpu.memory_space<semaphore_mem>>) src(%dma_wait3A_62 : memref<16x64xf32, #tpu.memory_space<vmem_shared>>) dst(%dma_wait3A_59 : memref<16x64xf32, #tpu.memory_space<hbm>>)
        tpu.yield
      }) : () -> ()
    } else {
    }
    return
  }
}

module attributes {stable_mosaic.version = 14 : i64} {
  func.func @_tc_post_body(%arg0: i32, %arg1: memref<50x40x128xf32, #tpu.memory_space<vmem>>, %arg2: memref<2x50x40x64xf32, #tpu.memory_space<vmem>>, %arg3: memref<50x20x1xf32, #tpu.memory_space<vmem>>, %arg4: memref<128x8xf32, #tpu.memory_space<vmem>>, %arg5: memref<64x8xf32, #tpu.memory_space<vmem>>, %arg6: memref<64x8xf32, #tpu.memory_space<vmem>>, %arg7: memref<1x8xf32, #tpu.memory_space<vmem>>, %arg8: memref<128x64xf32, #tpu.memory_space<vmem>>, %arg9: memref<1x64xf32, #tpu.memory_space<vmem>>, %arg10: memref<64x1xf32, #tpu.memory_space<vmem>>, %arg11: memref<1x1xf32, #tpu.memory_space<vmem>>, %arg12: memref<50x1x8xf32, #tpu.memory_space<vmem>>, %arg13: memref<50x20x8xf32, #tpu.memory_space<vmem>>, %arg14: memref<50x8x128xf32, #tpu.memory_space<vmem>>, %arg15: memref<50x20x8xf32, #tpu.memory_space<vmem>>, %arg16: memref<50x40x8xf32, #tpu.memory_space<vmem>>) attributes {dimension_semantics = [#tpu.dimension_semantics<arbitrary>], iteration_bounds = array<i64: 5>, scalar_prefetch = 0 : i64, scratch_operands = 0 : i64, tpu.core_type = #tpu.core_type<tc>, window_params = [{transform_indices = @transform_0, window_bounds = array<i64: 50, 40, 128>}, {transform_indices = @transform_1, window_bounds = array<i64: 2, 50, 40, 64>}, {transform_indices = @transform_2, window_bounds = array<i64: 50, 20, 1>}, {pipeline_mode = #tpu.pipeline_mode<synchronous>, transform_indices = @transform_3, window_bounds = array<i64: 128, 8>}, {pipeline_mode = #tpu.pipeline_mode<synchronous>, transform_indices = @transform_4, window_bounds = array<i64: 64, 8>}, {pipeline_mode = #tpu.pipeline_mode<synchronous>, transform_indices = @transform_5, window_bounds = array<i64: 64, 8>}, {pipeline_mode = #tpu.pipeline_mode<synchronous>, transform_indices = @transform_6, window_bounds = array<i64: 1, 8>}, {pipeline_mode = #tpu.pipeline_mode<synchronous>, transform_indices = @transform_7, window_bounds = array<i64: 128, 64>}, {pipeline_mode = #tpu.pipeline_mode<synchronous>, transform_indices = @transform_8, window_bounds = array<i64: 1, 64>}, {pipeline_mode = #tpu.pipeline_mode<synchronous>, transform_indices = @transform_9, window_bounds = array<i64: 64, 1>}, {pipeline_mode = #tpu.pipeline_mode<synchronous>, transform_indices = @transform_10, window_bounds = array<i64: 1, 1>}, {transform_indices = @transform_11, window_bounds = array<i64: 50, 1, 8>}, {transform_indices = @transform_12, window_bounds = array<i64: 50, 20, 8>}, {transform_indices = @transform_13, window_bounds = array<i64: 50, 8, 128>}, {transform_indices = @transform_14, window_bounds = array<i64: 50, 20, 8>}, {transform_indices = @transform_15, window_bounds = array<i64: 50, 40, 8>}]} {
    %get3A = arith.constant 0 : index
    %get3A_0 = arith.constant 0 : index
    %get3A_1 = arith.constant 0 : index
    %get3A_2 = vector.load %arg1[%get3A, %get3A_0, %get3A_1] : memref<50x40x128xf32, #tpu.memory_space<vmem>>, vector<50x40x128xf32>
    %reshape3A = vector.shape_cast %get3A_2 : vector<50x40x128xf32> to vector<2000x128xf32>
    %get3A_3 = arith.constant 0 : index
    %get3A_4 = arith.constant 0 : index
    %get3A_5 = arith.constant 0 : index
    %get3A_6 = arith.constant 0 : index
    %get3A_7 = vector.load %arg2[%get3A_3, %get3A_4, %get3A_5, %get3A_6] : memref<2x50x40x64xf32, #tpu.memory_space<vmem>>, vector<2x50x40x64xf32>
    %slice3A = vector.extract_strided_slice %get3A_7 {offsets = [0, 0, 0, 0], sizes = [1, 50, 40, 64], strides = [1, 1, 1, 1]} : vector<2x50x40x64xf32> to vector<1x50x40x64xf32>
    %squeeze3A = vector.shape_cast %slice3A : vector<1x50x40x64xf32> to vector<50x40x64xf32>
    %reshape3A_8 = vector.shape_cast %squeeze3A : vector<50x40x64xf32> to vector<2000x64xf32>
    %slice3A_9 = vector.extract_strided_slice %get3A_7 {offsets = [1, 0, 0, 0], sizes = [1, 50, 40, 64], strides = [1, 1, 1, 1]} : vector<2x50x40x64xf32> to vector<1x50x40x64xf32>
    %squeeze3A_10 = vector.shape_cast %slice3A_9 : vector<1x50x40x64xf32> to vector<50x40x64xf32>
    %reshape3A_11 = vector.shape_cast %squeeze3A_10 : vector<50x40x64xf32> to vector<2000x64xf32>
    %get3A_12 = arith.constant 0 : index
    %get3A_13 = arith.constant 0 : index
    %get3A_14 = vector.load %arg4[%get3A_12, %get3A_13] : memref<128x8xf32, #tpu.memory_space<vmem>>, vector<128x8xf32>
    %dot_general3A = arith.constant dense<0.000000e+00> : vector<2000x8xf32>
    %dot_general3A_15 = tpu.matmul %reshape3A, %get3A_14, %dot_general3A {dimension_numbers = #tpu.dot_dimension_numbers<[1], [0], [0], [1], [0, 0, 1, 1], [], []>, transpose_lhs_hint = false} : vector<2000x128xf32>, vector<128x8xf32>, vector<2000x8xf32> -> vector<2000x8xf32>
    %get3A_16 = arith.constant 0 : index
    %get3A_17 = arith.constant 0 : index
    %get3A_18 = vector.load %arg5[%get3A_16, %get3A_17] : memref<64x8xf32, #tpu.memory_space<vmem>>, vector<64x8xf32>
    %dot_general3A_19 = arith.constant dense<0.000000e+00> : vector<2000x8xf32>
    %dot_general3A_20 = tpu.matmul %reshape3A_8, %get3A_18, %dot_general3A_19 {dimension_numbers = #tpu.dot_dimension_numbers<[1], [0], [0], [1], [0, 0, 1, 1], [], []>, transpose_lhs_hint = false} : vector<2000x64xf32>, vector<64x8xf32>, vector<2000x8xf32> -> vector<2000x8xf32>
    %add3A = arith.addf %dot_general3A_15, %dot_general3A_20 : vector<2000x8xf32>
    %get3A_21 = arith.constant 0 : index
    %get3A_22 = arith.constant 0 : index
    %get3A_23 = vector.load %arg6[%get3A_21, %get3A_22] : memref<64x8xf32, #tpu.memory_space<vmem>>, vector<64x8xf32>
    %dot_general3A_24 = arith.constant dense<0.000000e+00> : vector<2000x8xf32>
    %dot_general3A_25 = tpu.matmul %reshape3A_11, %get3A_23, %dot_general3A_24 {dimension_numbers = #tpu.dot_dimension_numbers<[1], [0], [0], [1], [0, 0, 1, 1], [], []>, transpose_lhs_hint = false} : vector<2000x64xf32>, vector<64x8xf32>, vector<2000x8xf32> -> vector<2000x8xf32>
    %add3A_26 = arith.addf %add3A, %dot_general3A_25 : vector<2000x8xf32>
    %get3A_27 = arith.constant 0 : index
    %get3A_28 = arith.constant 0 : index
    %get3A_29 = vector.load %arg7[%get3A_27, %get3A_28] : memref<1x8xf32, #tpu.memory_space<vmem>>, vector<1x8xf32>
    %squeeze3A_30 = vector.shape_cast %get3A_29 : vector<1x8xf32> to vector<8xf32>
    %broadcast_in_dim3A = vector.shape_cast %squeeze3A_30 : vector<8xf32> to vector<1x8xf32>
    %add3A_31 = vector.broadcast %broadcast_in_dim3A : vector<1x8xf32> to vector<2000x8xf32>
    %add3A_32 = arith.addf %add3A_26, %add3A_31 : vector<2000x8xf32>
    %max3A = arith.constant 0.000000e+00 : f32
    %max3A_33 = vector.broadcast %max3A : f32 to vector<2000x8xf32>
    %max3A_34 = arith.maximumf %add3A_32, %max3A_33 : vector<2000x8xf32>
    %reshape3A_35 = vector.shape_cast %max3A_34 : vector<2000x8xf32> to vector<50x40x8xf32>
    %slice3A_36 = vector.extract_strided_slice %reshape3A_35 {offsets = [0, 0, 0], sizes = [50, 20, 8], strides = [1, 1, 1]} : vector<50x40x8xf32> to vector<50x20x8xf32>
    %jit3A = arith.constant 1.000000e-10 : f32
    %jit3A_37 = arith.constant 1.000000e+01 : f32
    %max3A_38 = vector.broadcast %jit3A : f32 to vector<50x20x8xf32>
    %max3A_39 = arith.maximumf %max3A_38, %slice3A_36 : vector<50x20x8xf32>
    %min3A = vector.broadcast %jit3A_37 : f32 to vector<50x20x8xf32>
    %min3A_40 = arith.minimumf %min3A, %max3A_39 : vector<50x20x8xf32>
    %reduce_max3A = arith.constant dense<0xFF800000> : vector<50x20xf32>
    %reduce_max3A_41 = vector.multi_reduction <maximumf>, %min3A_40, %reduce_max3A [2] : vector<50x20x8xf32> to vector<50x20xf32>
    %broadcast_in_dim3A_42 = vector.shape_cast %reduce_max3A_41 : vector<50x20xf32> to vector<50x20x1xf32>
    %sub3A = vector.broadcast %broadcast_in_dim3A_42 : vector<50x20x1xf32> to vector<50x20x8xf32>
    %sub3A_43 = arith.subf %min3A_40, %sub3A : vector<50x20x8xf32>
    %exp3A = math.exp %sub3A_43 : vector<50x20x8xf32>
    %reduce_sum3A = arith.constant dense<0.000000e+00> : vector<50x20xf32>
    %reduce_sum3A_44 = vector.multi_reduction <add>, %exp3A, %reduce_sum3A [2] : vector<50x20x8xf32> to vector<50x20xf32>
    %broadcast_in_dim3A_45 = vector.shape_cast %reduce_sum3A_44 : vector<50x20xf32> to vector<50x20x1xf32>
    %div3A = vector.broadcast %broadcast_in_dim3A_45 : vector<50x20x1xf32> to vector<50x20x8xf32>
    %div3A_46 = arith.divf %exp3A, %div3A : vector<50x20x8xf32>
    %swap3A = arith.constant 0 : index
    %swap3A_47 = arith.constant 0 : index
    %swap3A_48 = arith.constant 0 : index
    %swap3A_49 = vector.load %arg13[%swap3A, %swap3A_47, %swap3A_48] : memref<50x20x8xf32, #tpu.memory_space<vmem>>, vector<50x20x8xf32>
    tpu.vector_store %arg13[%swap3A, %swap3A_47, %swap3A_48], %div3A_46 {strides = array<i32>} : memref<50x20x8xf32, #tpu.memory_space<vmem>>, vector<50x20x8xf32>,
    %slice3A_50 = vector.extract_strided_slice %get3A_2 {offsets = [0, 0, 0], sizes = [50, 20, 128], strides = [1, 1, 1]} : vector<50x40x128xf32> to vector<50x20x128xf32>
    %dot_general3A_51 = arith.constant dense<0.000000e+00> : vector<50x8x128xf32>
    %dot_general3A_52 = tpu.matmul %div3A_46, %slice3A_50, %dot_general3A_51 {dimension_numbers = #tpu.dot_dimension_numbers<[1], [1], [2], [2], [0, 0, 0, 2, 1, 2], [0], [0]>, precision = #tpu.contract_precision<fp32>, transpose_lhs_hint = false} : vector<50x20x8xf32>, vector<50x20x128xf32>, vector<50x8x128xf32> -> vector<50x8x128xf32>
    %swap3A_53 = arith.constant 0 : index
    %swap3A_54 = arith.constant 0 : index
    %swap3A_55 = arith.constant 0 : index
    %swap3A_56 = vector.load %arg14[%swap3A_53, %swap3A_54, %swap3A_55] : memref<50x8x128xf32, #tpu.memory_space<vmem>>, vector<50x8x128xf32>
    tpu.vector_store %arg14[%swap3A_53, %swap3A_54, %swap3A_55], %dot_general3A_52 {strides = array<i32>} : memref<50x8x128xf32, #tpu.memory_space<vmem>>, vector<50x8x128xf32>,
    %dot_general3A_57 = arith.constant dense<0.000000e+00> : vector<50x20x8xf32>
    %dot_general3A_58 = tpu.matmul %slice3A_50, %dot_general3A_52, %dot_general3A_57 {dimension_numbers = #tpu.dot_dimension_numbers<[2], [2], [1], [1], [0, 0, 0, 1, 1, 1], [0], [0]>, precision = #tpu.contract_precision<fp32>, transpose_lhs_hint = false} : vector<50x20x128xf32>, vector<50x8x128xf32>, vector<50x20x8xf32> -> vector<50x20x8xf32>
    %mul3A = arith.mulf %slice3A_50, %slice3A_50 : vector<50x20x128xf32>
    %reduce_sum3A_59 = arith.constant dense<0.000000e+00> : vector<50x20xf32>
    %reduce_sum3A_60 = vector.multi_reduction <add>, %mul3A, %reduce_sum3A_59 [2] : vector<50x20x128xf32> to vector<50x20xf32>
    %sqrt3A = math.sqrt %reduce_sum3A_60 : vector<50x20xf32>
    %mul3A_61 = arith.mulf %dot_general3A_52, %dot_general3A_52 : vector<50x8x128xf32>
    %reduce_sum3A_62 = arith.constant dense<0.000000e+00> : vector<50x8xf32>
    %reduce_sum3A_63 = vector.multi_reduction <add>, %mul3A_61, %reduce_sum3A_62 [2] : vector<50x8x128xf32> to vector<50x8xf32>
    %sqrt3A_64 = math.sqrt %reduce_sum3A_63 : vector<50x8xf32>
    %broadcast_in_dim3A_65 = vector.shape_cast %sqrt3A : vector<50x20xf32> to vector<50x20x1xf32>
    %broadcast_in_dim3A_66 = vector.shape_cast %sqrt3A_64 : vector<50x8xf32> to vector<50x1x8xf32>
    %mul3A_67 = vector.broadcast %broadcast_in_dim3A_65 : vector<50x20x1xf32> to vector<50x20x8xf32>
    %mul3A_68 = vector.broadcast %broadcast_in_dim3A_66 : vector<50x1x8xf32> to vector<50x20x8xf32>
    %mul3A_69 = arith.mulf %mul3A_67, %mul3A_68 : vector<50x20x8xf32>
    %div3A_70 = arith.divf %dot_general3A_58, %mul3A_69 : vector<50x20x8xf32>
    %swap3A_71 = arith.constant 0 : index
    %swap3A_72 = arith.constant 0 : index
    %swap3A_73 = arith.constant 0 : index
    %swap3A_74 = vector.load %arg15[%swap3A_71, %swap3A_72, %swap3A_73] : memref<50x20x8xf32, #tpu.memory_space<vmem>>, vector<50x20x8xf32>
    tpu.vector_store %arg15[%swap3A_71, %swap3A_72, %swap3A_73], %div3A_70 {strides = array<i32>} : memref<50x20x8xf32, #tpu.memory_space<vmem>>, vector<50x20x8xf32>,
    %broadcast_in_dim3A_75 = arith.constant 0.000000e+00 : f32
    %broadcast_in_dim3A_76 = vector.broadcast %broadcast_in_dim3A_75 : f32 to vector<50x20x8xf32>
    %concatenate3A = tpu.concatenate %div3A_70, %broadcast_in_dim3A_76 in 1 : vector<50x20x8xf32>, vector<50x20x8xf32> -> vector<50x40x8xf32>
    %swap3A_77 = arith.constant 0 : index
    %swap3A_78 = arith.constant 0 : index
    %swap3A_79 = arith.constant 0 : index
    %swap3A_80 = vector.load %arg16[%swap3A_77, %swap3A_78, %swap3A_79] : memref<50x40x8xf32, #tpu.memory_space<vmem>>, vector<50x40x8xf32>
    tpu.vector_store %arg16[%swap3A_77, %swap3A_78, %swap3A_79], %concatenate3A {strides = array<i32>} : memref<50x40x8xf32, #tpu.memory_space<vmem>>, vector<50x40x8xf32>,
    %get3A_81 = arith.constant 0 : index
    %get3A_82 = arith.constant 0 : index
    %get3A_83 = arith.constant 0 : index
    %get3A_84 = vector.load %arg3[%get3A_81, %get3A_82, %get3A_83] : memref<50x20x1xf32, #tpu.memory_space<vmem>>, vector<50x20x1xf32>
    %mul3A_85 = vector.broadcast %get3A_84 : vector<50x20x1xf32> to vector<50x20x8xf32>
    %mul3A_86 = arith.mulf %mul3A_85, %div3A_46 : vector<50x20x8xf32>
    %reduce_sum3A_87 = arith.constant dense<0.000000e+00> : vector<50x8xf32>
    %reduce_sum3A_88 = vector.multi_reduction <add>, %mul3A_86, %reduce_sum3A_87 [1] : vector<50x20x8xf32> to vector<50x8xf32>
    %reduce_sum3A_89 = arith.constant dense<0.000000e+00> : vector<50x128xf32>
    %reduce_sum3A_90 = vector.multi_reduction <add>, %get3A_2, %reduce_sum3A_89 [1] : vector<50x40x128xf32> to vector<50x128xf32>
    %get3A_91 = arith.constant 0 : index
    %get3A_92 = arith.constant 0 : index
    %get3A_93 = vector.load %arg8[%get3A_91, %get3A_92] : memref<128x64xf32, #tpu.memory_space<vmem>>, vector<128x64xf32>
    %dot_general3A_94 = arith.constant dense<0.000000e+00> : vector<50x64xf32>
    %dot_general3A_95 = tpu.matmul %reduce_sum3A_90, %get3A_93, %dot_general3A_94 {dimension_numbers = #tpu.dot_dimension_numbers<[1], [0], [0], [1], [0, 0, 1, 1], [], []>, transpose_lhs_hint = false} : vector<50x128xf32>, vector<128x64xf32>, vector<50x64xf32> -> vector<50x64xf32>
    %get3A_96 = arith.constant 0 : index
    %get3A_97 = arith.constant 0 : index
    %get3A_98 = vector.load %arg9[%get3A_96, %get3A_97] : memref<1x64xf32, #tpu.memory_space<vmem>>, vector<1x64xf32>
    %squeeze3A_99 = vector.shape_cast %get3A_98 : vector<1x64xf32> to vector<64xf32>
    %broadcast_in_dim3A_100 = vector.shape_cast %squeeze3A_99 : vector<64xf32> to vector<1x64xf32>
    %add3A_101 = vector.broadcast %broadcast_in_dim3A_100 : vector<1x64xf32> to vector<50x64xf32>
    %add3A_102 = arith.addf %dot_general3A_95, %add3A_101 : vector<50x64xf32>
    %max3A_103 = arith.constant 0.000000e+00 : f32
    %max3A_104 = vector.broadcast %max3A_103 : f32 to vector<50x64xf32>
    %max3A_105 = arith.maximumf %add3A_102, %max3A_104 : vector<50x64xf32>
    %get3A_106 = arith.constant 0 : index
    %get3A_107 = arith.constant 0 : index
    %get3A_108 = vector.load %arg10[%get3A_106, %get3A_107] : memref<64x1xf32, #tpu.memory_space<vmem>>, vector<64x1xf32>
    %dot_general3A_109 = arith.constant dense<0.000000e+00> : vector<50x1xf32>
    %dot_general3A_110 = tpu.matmul %max3A_105, %get3A_108, %dot_general3A_109 {dimension_numbers = #tpu.dot_dimension_numbers<[1], [0], [0], [1], [0, 0, 1, 1], [], []>, transpose_lhs_hint = false} : vector<50x64xf32>, vector<64x1xf32>, vector<50x1xf32> -> vector<50x1xf32>
    %get3A_111 = arith.constant 0 : index
    %get3A_112 = arith.constant 0 : index
    %get3A_113 = vector.load %arg11[%get3A_111, %get3A_112] : memref<1x1xf32, #tpu.memory_space<vmem>>, vector<1x1xf32>
    %squeeze3A_114 = vector.shape_cast %get3A_113 : vector<1x1xf32> to vector<1xf32>
    %broadcast_in_dim3A_115 = vector.shape_cast %squeeze3A_114 : vector<1xf32> to vector<1x1xf32>
    %add3A_116 = vector.broadcast %broadcast_in_dim3A_115 : vector<1x1xf32> to vector<50x1xf32>
    %add3A_117 = arith.addf %dot_general3A_110, %add3A_116 : vector<50x1xf32>
    %add3A_118 = vector.broadcast %add3A_117 : vector<50x1xf32> to vector<50x8xf32>
    %add3A_119 = arith.addf %reduce_sum3A_88, %add3A_118 : vector<50x8xf32>
    %broadcast_in_dim3A_120 = vector.shape_cast %add3A_119 : vector<50x8xf32> to vector<50x1x8xf32>
    %swap3A_121 = arith.constant 0 : index
    %swap3A_122 = arith.constant 0 : index
    %swap3A_123 = arith.constant 0 : index
    %swap3A_124 = vector.load %arg12[%swap3A_121, %swap3A_122, %swap3A_123] : memref<50x1x8xf32, #tpu.memory_space<vmem>>, vector<50x1x8xf32>
    tpu.vector_store %arg12[%swap3A_121, %swap3A_122, %swap3A_123], %broadcast_in_dim3A_120 {strides = array<i32>} : memref<50x1x8xf32, #tpu.memory_space<vmem>>, vector<50x1x8xf32>,
    return
  }
  func.func @transform_0(%arg0: i32) -> (i32, i32, i32) {
    %c0_i32 = arith.constant 0 : i32
    %c0_i32_0 = arith.constant 0 : i32
    %c0_i32_1 = arith.constant 0 : i32
    return %arg0, %c0_i32, %c0_i32_0 : i32, i32, i32
  }
  func.func @transform_1(%arg0: i32) -> (i32, i32, i32, i32) {
    %c0_i32 = arith.constant 0 : i32
    %c0_i32_0 = arith.constant 0 : i32
    %c0_i32_1 = arith.constant 0 : i32
    %c0_i32_2 = arith.constant 0 : i32
    return %c0_i32, %arg0, %c0_i32_0, %c0_i32_1 : i32, i32, i32, i32
  }
  func.func @transform_2(%arg0: i32) -> (i32, i32, i32) {
    %c0_i32 = arith.constant 0 : i32
    %c0_i32_0 = arith.constant 0 : i32
    %c0_i32_1 = arith.constant 0 : i32
    return %arg0, %c0_i32, %c0_i32_0 : i32, i32, i32
  }
  func.func @transform_3(%arg0: i32) -> (i32, i32) {
    %c0_i32 = arith.constant 0 : i32
    %c0_i32_0 = arith.constant 0 : i32
    %c0_i32_1 = arith.constant 0 : i32
    return %c0_i32, %c0_i32_0 : i32, i32
  }
  func.func @transform_4(%arg0: i32) -> (i32, i32) {
    %c0_i32 = arith.constant 0 : i32
    %c0_i32_0 = arith.constant 0 : i32
    %c0_i32_1 = arith.constant 0 : i32
    return %c0_i32, %c0_i32_0 : i32, i32
  }
  func.func @transform_5(%arg0: i32) -> (i32, i32) {
    %c0_i32 = arith.constant 0 : i32
    %c0_i32_0 = arith.constant 0 : i32
    %c0_i32_1 = arith.constant 0 : i32
    return %c0_i32, %c0_i32_0 : i32, i32
  }
  func.func @transform_6(%arg0: i32) -> (i32, i32) {
    %c0_i32 = arith.constant 0 : i32
    %c0_i32_0 = arith.constant 0 : i32
    %c0_i32_1 = arith.constant 0 : i32
    return %c0_i32, %c0_i32_0 : i32, i32
  }
  func.func @transform_7(%arg0: i32) -> (i32, i32) {
    %c0_i32 = arith.constant 0 : i32
    %c0_i32_0 = arith.constant 0 : i32
    %c0_i32_1 = arith.constant 0 : i32
    return %c0_i32, %c0_i32_0 : i32, i32
  }
  func.func @transform_8(%arg0: i32) -> (i32, i32) {
    %c0_i32 = arith.constant 0 : i32
    %c0_i32_0 = arith.constant 0 : i32
    %c0_i32_1 = arith.constant 0 : i32
    return %c0_i32, %c0_i32_0 : i32, i32
  }
  func.func @transform_9(%arg0: i32) -> (i32, i32) {
    %c0_i32 = arith.constant 0 : i32
    %c0_i32_0 = arith.constant 0 : i32
    %c0_i32_1 = arith.constant 0 : i32
    return %c0_i32, %c0_i32_0 : i32, i32
  }
  func.func @transform_10(%arg0: i32) -> (i32, i32) {
    %c0_i32 = arith.constant 0 : i32
    %c0_i32_0 = arith.constant 0 : i32
    %c0_i32_1 = arith.constant 0 : i32
    return %c0_i32, %c0_i32_0 : i32, i32
  }
  func.func @transform_11(%arg0: i32) -> (i32, i32, i32) {
    %c0_i32 = arith.constant 0 : i32
    %c0_i32_0 = arith.constant 0 : i32
    %c0_i32_1 = arith.constant 0 : i32
    return %arg0, %c0_i32, %c0_i32_0 : i32, i32, i32
  }
  func.func @transform_12(%arg0: i32) -> (i32, i32, i32) {
    %c0_i32 = arith.constant 0 : i32
    %c0_i32_0 = arith.constant 0 : i32
    %c0_i32_1 = arith.constant 0 : i32
    return %arg0, %c0_i32, %c0_i32_0 : i32, i32, i32
  }
  func.func @transform_13(%arg0: i32) -> (i32, i32, i32) {
    %c0_i32 = arith.constant 0 : i32
    %c0_i32_0 = arith.constant 0 : i32
    %c0_i32_1 = arith.constant 0 : i32
    return %arg0, %c0_i32, %c0_i32_0 : i32, i32, i32
  }
  func.func @transform_14(%arg0: i32) -> (i32, i32, i32) {
    %c0_i32 = arith.constant 0 : i32
    %c0_i32_0 = arith.constant 0 : i32
    %c0_i32_1 = arith.constant 0 : i32
    return %arg0, %c0_i32, %c0_i32_0 : i32, i32, i32
  }
  func.func @transform_15(%arg0: i32) -> (i32, i32, i32) {
    %c0_i32 = arith.constant 0 : i32
    %c0_i32_0 = arith.constant 0 : i32
    %c0_i32_1 = arith.constant 0 : i32
    return %arg0, %c0_i32, %c0_i32_0 : i32, i32, i32
  }
}

</mosaic_0001>

<sc_bundles>
// kernel: kernel.4.cloned.1.call-start
scs
__scs_entry_jumppad:
0x0: {  	(pc) =	sbr.rel $0x88, $3  }
0x1: {  	(tag) =	ssettag $0x0;
	lr =	simm.s32 $0x1  }
0x2: {  	[smem:$0x3F97] =	sst lr;
	_ =	strace $0xD0000000  }
0x3: {  	_ = 	snop  }
0x4: {  	_ = 	snop  }
0x5: {  	_ = 	snop  }
0x6: {  	_ = 	snop  }
0x7: {  	_ = 	snop  }
__scs_overlays_trampoline_lowered:
0x8: {  	[smem:$0x3FA6] =	sst s0  }
0x9: {  	[smem:$0x3FA7] =	sst s1  }
0xa: {  	[smem:$0x3FA8] =	sst s2  }
0xb: {  	[smem:$0x3FA9] =	sst s3  }
0xc: {  	[smem:$0x3FAA] =	sst s4  }
0xd: {  	[smem:$0x3FAB] =	sst s5  }
0xe: {  	[smem:$0x3FAC] =	sst s6  }
0xf: {  	[smem:$0x3FAD] =	sst s7  }
0x10: {  	[smem:$0x3FAE] =	sst s8  }
0x11: {  	[smem:$0x3FAF] =	sst s9;
	s0 =	simm.s32 @!p0 $0x0  }
0x12: {  	s1 =	sld [smem:$0x3F95];
	s0 =	simm.s32 @p0 $0x1  }
0x13: {  	[smem:$0x3FB0] =	sst s0;
	s0 =	simm.s32 @!p1 $0x0  }
0x14: {  	s2 =	sld [smem:$0x3F94];
	s0 =	simm.s32 @p1 $0x1  }
0x15: {  	[smem:$0x3FB1] =	sst s0;
	s0 =	simm.s32 @!p2 $0x0  }
0x16: {  	s3 =	sld [smem:$0x3FDB];
	s0 =	simm.s32 @p2 $0x1  }
0x17: {  	s4 =	simm.s32 $0x1BF5;
	[smem:$0x3FB3] =	sst s0  }
0x18: {  	s0 =	sld [smem:$0x3F96];
	_ =	swait.ge [sflag:s4], $0x0  }
0x19: {  	s7 =	sld [smem:$0x3F97]  }
0x1a: {  	s8 =	sadd.s32 $0xFFFFE003, lr  }
0x1b: {  	s9 =	sadd.s32 $0xFFFFFEF7, lr;
	s5 =	simm.s32 $0xFFFFFFFF;
	p2 =	slt.u32 s8, $0xFFFFF086  }
0x1c: {  	p1 =	slt.u32 s9, $0xF7A;
	s5 =	simm.s32 @!p2 $0x0  }
0x1d: {  	s5 =	simm.s32 @p1 $0x1;
	p0 =	seq.s32 s7, s2  }
0x1e: {  	s7 =	smul.u32 @!p0 $0xF7A, s2;
	p2 =	seq.s32 @!p0 s5, $0x0  }
0x1f: {  	s9 =	smul.u32 $0xF7A, s1;
	s8 =	simm.s32 @!p0 $0x1BF5;
	p2 =	por !p2, p0  }
0x20: {  	[sflag:s8] =	ssyncset.s32 @!p0 $0xFFFFF086;
	s6 =	sadd.s32 @!p0 s3, s7;
	s7 =	simm.s32 @!p0 $0x108  }
0x21: {  	s3 =	sadd.s32 s3, s9;
	s6 =	sadd.s32 @!p0 $0x88, s6;
	s7 =	simm.s32 @p2 $0x1082  }
0x22: {  	[simem:s7], [sflag:s8] =	dma.local @!p0 [hbm:s6], $0xF7A  }
0x23: {  	s9 =	sor.u32 $0xD0000000, s2;
	s6 =	simm.s32 $0x108;
	_ =	swait.ge @!p0 [sflag:s8], $0x0  }
0x24: {  	s3 =	sadd.s32 $0x88, s3;
	s6 =	simm.s32 @!p1 $0x1082;
	[sflag:s4] =	ssyncset.s32 $0xFFFFF086  }
0x25: {  	[simem:s6], [sflag:s4] =	dma.local [hbm:s3], $0xF7A  }
0x26: {  	[smem:$0x3F97] =	sst s1;
	(tag) =	ssettag s2;
	_ =	strace s9  }
0x27: {  	s1 =	sld [smem:$0x3FA7]  }
0x28: {  	s2 =	sld [smem:$0x3FA8]  }
0x29: {  	s4 =	sld [smem:$0x3FAA]  }
0x2a: {  	p0 =	seq.s32 s5, $0x0;
	s5 =	sld [smem:$0x3FAB]  }
0x2b: {  	s6 =	sld [smem:$0x3FAC]  }
0x2c: {  	s7 =	sld [smem:$0x3FAD]  }
0x2d: {  	s3 =	simm.s32 $0x108;
	s8 =	sld [smem:$0x3FAE]  }
0x2e: {  	s3 =	simm.s32 @!p0 $0x1082;
	s9 =	sld [smem:$0x3FAF]  }
0x2f: {  	lr =	sadd.s32 s0, s3;
	s0 =	sld [smem:$0x3FA6]  }
0x30: {  	s3 =	sld [smem:$0x3FA9]  }
0x31: {  	[smem:$0x3FB2] =	sst s10  }
0x32: {  	s10 =	sld [smem:$0x3FB0];
	_ =	sdelay $0x3  }
0x33: {  	p0 =	seq.s32 s10, $0x1;
	s10 =	sld [smem:$0x3FB2];
	_ =	sdelay $0x3  }
0x34: {  	[smem:$0x3FB2] =	sst s10  }
0x35: {  	s10 =	sld [smem:$0x3FB1];
	_ =	sdelay $0x3  }
0x36: {  	p1 =	seq.s32 s10, $0x1;
	s10 =	sld [smem:$0x3FB2];
	_ =	sdelay $0x3  }
0x37: {  	[smem:$0x3FB2] =	sst s10  }
0x38: {  	s10 =	sld [smem:$0x3FB3]  }
0x39: {  	_ = 	snop;
	(pc) =	sbr.ind lr, $3  }
0x3a: {  	_ = 	snop  }
0x3b: {  	_ = 	snop  }
0x3c: {  	p2 =	seq.s32 s10, $0x1;
	s10 =	sld [smem:$0x3FB2]  }
0x3d: {  	_ =	shalt  }
0x3e: {  	_ =	shalt  }
0x3f: {  	_ =	shalt  }
0x40: {  	_ =	shalt  }
0x41: {  	_ =	shalt  }
0x42: {  	_ =	shalt  }
0x43: {  	_ =	shalt  }
0x44: {  	_ =	shalt  }
0x45: {  	_ =	shalt  }
0x46: {  	_ =	shalt  }
0x47: {  	_ =	shalt  }
0x48: {  	_ =	shalt  }
0x49: {  	_ =	shalt  }
0x4a: {  	_ =	shalt  }
0x4b: {  	_ =	shalt  }
0x4c: {  	_ =	shalt  }
0x4d: {  	_ =	shalt  }
0x4e: {  	_ =	shalt  }
0x4f: {  	_ =	shalt  }
0x50: {  	_ =	shalt  }
0x51: {  	_ =	shalt  }
0x52: {  	_ =	shalt  }
0x53: {  	_ =	shalt  }
0x54: {  	_ =	shalt  }
0x55: {  	_ =	shalt  }
0x56: {  	_ =	shalt  }
0x57: {  	_ =	shalt  }
0x58: {  	_ =	shalt  }
0x59: {  	_ =	shalt  }
0x5a: {  	_ =	shalt  }
0x5b: {  	_ =	shalt  }
0x5c: {  	_ =	shalt  }
0x5d: {  	_ =	shalt  }
0x5e: {  	_ =	shalt  }
0x5f: {  	_ =	shalt  }
0x60: {  	_ =	shalt  }
0x61: {  	_ =	shalt  }
0x62: {  	_ =	shalt  }
0x63: {  	_ =	shalt  }
0x64: {  	_ =	shalt  }
0x65: {  	_ =	shalt  }
0x66: {  	_ =	shalt  }
0x67: {  	_ =	shalt  }
0x68: {  	_ =	shalt  }
0x69: {  	_ =	shalt  }
0x6a: {  	_ =	shalt  }
0x6b: {  	_ =	shalt  }
0x6c: {  	_ =	shalt  }
0x6d: {  	_ =	shalt  }
0x6e: {  	_ =	shalt  }
0x6f: {  	_ =	shalt  }
0x70: {  	_ =	shalt  }
0x71: {  	_ =	shalt  }
0x72: {  	_ =	shalt  }
0x73: {  	_ =	shalt  }
0x74: {  	_ =	shalt  }
0x75: {  	_ =	shalt  }
0x76: {  	_ =	shalt  }
0x77: {  	_ =	shalt  }
0x78: {  	_ =	shalt  }
0x79: {  	_ =	shalt  }
0x7a: {  	_ =	shalt  }
0x7b: {  	_ =	shalt  }
0x7c: {  	_ =	shalt  }
0x7d: {  	_ =	shalt  }
0x7e: {  	_ =	shalt  }
0x7f: {  	_ =	shalt  }
0x80: {  	_ =	shalt  }
0x81: {  	_ =	shalt  }
0x82: {  	_ =	shalt  }
0x83: {  	_ =	shalt  }
0x84: {  	_ =	shalt  }
0x85: {  	_ =	shalt  }
0x86: {  	_ =	shalt  }
0x87: {  	_ =	shalt  }
.Lfunc_end0:
.L_simem_size_0:
called_computation_lowered:
.L_overlay_start_0:
0x88: {  	s2 =	sld [smem:$0x3FD9]  }
0x89: {  	s3 =	sld [smem:$0x3FFE];
	_ =	sdelay $0x1  }
0x8a: {  	s1 =	srdreg.scid  }
0x8b: {  	s0 =	sand.u32 $0x1, s1  }
0x8c: {  	s14 =	sshll.u32 s0, $0xA;
	s2 =	sadd.s32 s3, s2  }
0x8d: {  	s2 =	sadd.s32 s2, s14  }
0x8e: {  	[smem:$0x3FBE] =	sst s2  }
0x8f: {  	_ = 	snop  }
0x90: {  	s2 =	sld [smem:$0x3FD0];
	_ =	sdelay $0x2  }
0x91: {  	s15 =	simm.s32 $0xA;
	s4 =	simm.s32 $0x10  }
0x92: {  	[smem:s4], [sflag:s15] =	dma.local [hbm:s2], $0x1  }
0x93: {  	_ =	swait.eq [sflag:s15], $0x1  }
0x94: {  	[sflag:s15] =	ssyncset.done $0x0  }
0x95: {  	[sflag:s15] =	ssyncadd.s32 $0xFFFFFFFF  }
0x96: {  	s16 =	sld [smem:$0x13];
	(tm) =	ssettm $0x1  }
0x97: {  	s17 =	sld [smem:$0x3FFB];
	_ =	sdelay $0x3  }
0x98: {  	_ =	strace s17  }
0x99: {  	s3 =	sld [smem:$0x3FFC];
	_ =	sdelay $0x3  }
0x9a: {  	_ =	strace s3  }
0x9b: {  	s3 =	sld [smem:$0x3FFD];
	_ =	sdelay $0x3  }
0x9c: {  	_ =	strace s3  }
0x9d: {  	_ =	strace $0x8FFFFFFF  }
0x9e: {  	s18 =	sld [smem:$0x3FDB];
	_ =	sdelay $0x1  }
0x9f: {  	s19 =	simm.s32 $_scs_section_size  }
0xa0: {  	s5 =	simm.s32 $_size__tile_overlayer_lowered;
	s6 =	simm.s32 $_tile_overlayer_lowered  }
0xa1: {  	s22 =	simm.s32 $0x1BFF;
	s21 =	sshll.u32 s6, $0x1;
	s3 =	sadd.s32 s19, s18  }
0xa2: {  	s7 =	simm.s32 $0x0;
	s20 =	sshll.u32 s5, $0x1;
	s5 =	sadd.s32 s21, s3  }
0xa3: {  	[timem:s7], [sflag:s22] =	dma.local [hbm:s5], s20  }
0xa4: {  	_ =	swait.ge [sflag:s22], s20  }
0xa5: {  	s4 =	ssub.s32 $0x0, s20;
	[sflag:s22] =	ssyncset.done $0x0  }
0xa6: {  	[sflag:s22] =	ssyncadd.s32 s4;
	_ =	sdelay $0x1  }
0xa7: {  	s23 =	simm.s32 $0x1B8B  }
0xa8: {  	_ =	swait.ge [sflag:s23], $0x1  }
0xa9: {  	[sflag:s23] =	ssyncset.done $0x0  }
0xaa: {  	s25 =	simm.s32 $0x1B8E;
	s24 =	sld [smem:$0x3FFE];
	[sflag:s23] =	ssyncadd.s32 $0xFFFFFFFF  }
0xab: {  	s26 =	simm.s32 $execute0_lowered;
	[smem:$0x3FD2] =	sst s25  }
0xac: {  	s5 =	sshll.u32 s26, $0x1;
	_ =	strace $0x80000046;
	[dreg:$0x1] =	wrdreg $0xFFFFFFFF  }
0xad: {  	s28 =	simm.s32 $_size_execute0_lowered;
	s3 =	sadd.s32 s3, s5;
	[dreg:$0x0] =	wrdreg $0x0  }
0xae: {  	s5 =	sshll.u32 s28, $0x1;
	[dreg:$0x2] =	wrdreg s3  }
0xaf: {  	[dreg:$0x3] =	wrdreg s5  }
0xb0: {  	[dreg:$0x4] =	wrdreg $0xC0  }
0xb1: {  	_ =	task [dreg:s7], $0x5FFFF  }
0xb2: {  	[dreg:$0x1] =	wrdreg $0xFFFFFFFF  }
0xb3: {  	[dreg:$0x0] =	wrdreg $0x60  }
0xb4: {  	[dreg:$0x2] =	wrdreg s24  }
0xb5: {  	[dreg:$0x3] =	wrdreg s16  }
0xb6: {  	[dreg:$0x4] =	wrdreg $0x120000  }
0xb7: {  	[dreg:$0x5] =	wrdreg $0x9  }
0xb8: {  	_ =	task.clear_ibuf [dreg:s7], $0x6FFFF;
	_ =	strace $0x90000046  }
0xb9: {  	s29 =	simm.s32 $0x9;
	_ =	strace $0x80000048  }
0xba: {  	_ =	swait.ge [sflag:s29], $0x1  }
0xbb: {  	[sflag:s29] =	ssyncadd.s32 $0xFFFFFFFF  }
0xbc: {  	_ =	strace $0x90000048  }
0xbd: {  	_ =	sfence  }
0xbe: {  	s30 =	sld [smem:$0x0];
	_ =	sdelay $0x2  }
0xbf: {  	s31 =	sshll.u32 s1, $0xD;
	s1 =	sshrl.u32 s1, $0x2  }
0xc0: {  	s3 =	sand.u32 $0x4000, s31;
	s1 =	sadd.s32 s1, s30  }
0xc1: {  	s0 =	sor.u32 s3, s0;
	s1 =	sshll.u32 s1, $0x11  }
0xc2: {  	s0 =	sor.u32 s1, s0  }
0xc3: {  	s0 =	sadd.s32 $0x8F2B, s0  }
0xc4: {  	[sflag:s0] =	ssyncadd.remote.s32 $0x1  }
0xc5: {  	_ =	sfence.sel $0xFFFF  }
0xc6: {  	[dreg:$0x0] =	wrdreg $0xFFFFFFFF;
	(pc) =	sbr.abs _section_cstart, $3  }
0xc7: {  	[dreg:$0x1] =	wrdreg $0xFFFFFFFF  }
0xc8: {  	_ =	task.clear_ibuf [dreg:s7], $0x2FFFF;
	_ =	strace $0x9FFFFFFF  }
0xc9: {  	(tm) =	ssettm $0x7FFFFFFF  }
tec
execute0_lowered:
.L_overlay_start_1:
0x0: {  	(tag) =	ssettag $0x1  }
0x1: {  	s0 =	rddreg [dreg:$0x0];
	s17 =	stileid.u32  }
0x2: {  	s1 =	srdreg.scid;
	s3 =	rddreg [dreg:$0x2];
	s4 =	simm.s32 $0x0  }
0x3: {  	s12 =	simm.s32 $0x5;
	s14 =	simm.s32 $0x80;
	s15 =	simm.s32 $0xA000  }
0x4: {  	s16 =	simm.s32 $0xC000;
	s18 =	simm.s32 $0xE000;
	s19 =	simm.s32 $0x1  }
0x5: {  	s20 =	simm.s32 $0x10000;
	s21 =	simm.s32 $0x2;
	s22 =	simm.s32 $0x3  }
0x6: {  	s28 =	simm.s32 $0x4F80;
	s29 =	simm.s32 $0x9E00;
	s30 =	simm.s32 $0x9E80  }
0x7: {  	s31 =	simm.s32 $0x9F00;
	s2 =	smul.u32 $0xA00, s17;
	s1 =	sand.u32 $0x1, s1  }
0x8: {  	[smem:$0x7FF] =	sst s4;
	s6 =	smul.u32 $0x27800, s17;
	s24 =	sshll.u32 s17, $0x6  }
0x9: {  	s10 =	smul.u32 $0x9C00, s17;
	s13 =	sadd.s32 $0x9C000, s3;
	p0 =	sne.s32 s17, $0xF  }
0xa: {  	s5 =	smul.u32 $0x13880, s1;
	_ =	strace $0x80000047;
	s1 =	ssub.s32 $0x2, s1  }
0xb: {  	s2 =	sadd.s32 s2, s0;
	s23 =	sshrl.u32 s1, $0x1;
	s6 =	sshrl.u32 s6, $0x2  }
0xc: {  	s25 =	sshrl.u32 s10, $0x3;
	s26 =	sadd.s32 s10, s3;
	s0 =	sadd.s32 s5, s0  }
0xd: {  	s1 =	ssub.s32 s1, s23;
	s11 =	sadd.s32 s6, s3;
	s5 =	sor.u32 $0x1C05, s24  }
0xe: {  	s6 =	sadd.s32 $0x32C00, s2;
	s7 =	sadd.s32 $0x28C00, s2;
	s24 =	sshrl.u32 s26, $0x3  }
0xf: {  	s26 =	simm.s32 $0x4;
	s8 =	sadd.s32 $0x1A00, s0;
	s9 =	sadd.s32 $0x3CC00, s0  }
0x10: {  	s10 =	smax.u32 s1, $0x1;
	s11 =	sshrl.u32 s11, $0x3;
	s1 =	simm.s32 $0x9F80  }
0x11: {  	s0 =	simm.s32 $0x0;
	s23 =	sadd.s32 s25, s9;
	s25 =	sshrl.u32 @!p0 s13, $0x3  }
.LBB2_1:
0x12: {  	s2 =	rddreg [dreg:$0x1]  }
0x13: {  	[spmem:s11], [sflag:s5] =	dma.local [hbm:s2], $0x13C0  }
0x14: {  	_ =	swait.ge [sflag:s12], $0x13C0  }
0x15: {  	[sflag:s12] =	ssyncset.done $0x0  }
0x16: {  	[sflag:s12] =	ssyncadd.s32 $0xFFFFEC40  }
0x17: {  	[tilespmem:s4], [sflag:$0x5] =	stream.linear.gather [hbm4b:s6+s4], $0x5000, $0x38;
	[tilespmem:$0x1BE00] =	vst v63  }
0x18: {  	_ =	swait.ge [sflag:s12], $0x5000  }
0x19: {  	[sflag:s12] =	ssyncset.done $0x0  }
0x1a: {  	s13 =	simm.s32 $0x5000;
	[sflag:s12] =	ssyncadd.s32 $0xFFFFB000  }
0x1b: {  	[tilespmem:s13], [sflag:$0x5] =	stream.linear.gather [hbm4b:s7+s4], $0x5000, $0x38;
	[tilespmem:$0x1BE00] =	vst v63  }
0x1c: {  	_ =	swait.ge [sflag:s12], $0x5000  }
0x1d: {  	[sflag:s12] =	ssyncset.done $0x0  }
0x1e: {  	[sflag:s12] =	ssyncadd.s32 $0xFFFFB000  }
0x1f: {  	[bflag:$0x0] =	sbarrier.arrive $0xFFFF  }
0x20: {  	[tilespmem:s15], [sflag:$0x1] =	stream.indirect.gather [hbm4b:s8+s14], $0x40, s4, s14, $0xb8;
	[tilespmem:$0x1BE00] =	vst v63  }
0x21: {  	_ = 	snop  }
0x22: {  	[tilespmem:s16], [sflag:$0x2] =	stream.indirect.gather [hbm4b:s8+s14], $0x40, s14, s14, $0xb8;
	[tilespmem:$0x1BE00] =	vst v63  }
0x23: {  	s17 =	simm.s32 $0x100  }
0x24: {  	[tilespmem:s18], [sflag:$0x3] =	stream.indirect.gather [hbm4b:s8+s14], $0x40, s17, s14, $0xb8;
	[tilespmem:$0x1BE00] =	vst v63  }
0x25: {  	_ =	swait.ge [sflag:s19], $0x2000  }
0x26: {  	[sflag:s19] =	ssyncset.done $0x0  }
0x27: {  	s13 =	simm.s32 $0x180;
	[sflag:s19] =	ssyncadd.s32 $0xFFFFE000  }
0x28: {  	[tilespmem:s20], [sflag:$0x4] =	stream.indirect.gather [hbm4b:s8+s14], $0x40, s13, s14, $0xb8;
	[tilespmem:$0x1BE00] =	vst v63  }
0x29: {  	s17 =	simm.s32 $0x5000  }
0x2a: {  	[spmem:s3] =	stream.indirect.scatter.add.f32 [tilespmem:s15], [sflag:$0x5], $0x40, s17, s14, $0xb8;
	[tilespmem:$0x1BE00] =	vst v63  }
0x2b: {  	_ =	swait.ge [sflag:s12], $0x2000  }
0x2c: {  	[sflag:s12] =	ssyncset.done $0x0  }
0x2d: {  	[sflag:s12] =	ssyncadd.s32 $0xFFFFE000  }
0x2e: {  	_ =	swait.ge [sflag:s21], $0x2000  }
0x2f: {  	[sflag:s21] =	ssyncset.done $0x0  }
0x30: {  	s13 =	simm.s32 $0x200;
	[sflag:s21] =	ssyncadd.s32 $0xFFFFE000  }
0x31: {  	[tilespmem:s15], [sflag:$0x1] =	stream.indirect.gather [hbm4b:s8+s14], $0x40, s13, s14, $0xb8;
	[tilespmem:$0x1BE00] =	vst v63  }
0x32: {  	s17 =	simm.s32 $0x5080  }
0x33: {  	[spmem:s3] =	stream.indirect.scatter.add.f32 [tilespmem:s16], [sflag:$0x5], $0x40, s17, s14, $0xb8;
	[tilespmem:$0x1BE00] =	vst v63  }
0x34: {  	_ =	swait.ge [sflag:s12], $0x2000  }
0x35: {  	[sflag:s12] =	ssyncset.done $0x0  }
0x36: {  	[sflag:s12] =	ssyncadd.s32 $0xFFFFE000  }
0x37: {  	_ =	swait.ge [sflag:s22], $0x2000  }
0x38: {  	[sflag:s22] =	ssyncset.done $0x0  }
0x39: {  	s13 =	simm.s32 $0x280;
	[sflag:s22] =	ssyncadd.s32 $0xFFFFE000  }
0x3a: {  	[tilespmem:s16], [sflag:$0x2] =	stream.indirect.gather [hbm4b:s8+s14], $0x40, s13, s14, $0xb8;
	[tilespmem:$0x1BE00] =	vst v63  }
0x3b: {  	s17 =	simm.s32 $0x5100  }
0x3c: {  	[spmem:s3] =	stream.indirect.scatter.add.f32 [tilespmem:s18], [sflag:$0x5], $0x40, s17, s14, $0xb8;
	[tilespmem:$0x1BE00] =	vst v63  }
0x3d: {  	_ =	swait.ge [sflag:s12], $0x2000  }
0x3e: {  	[sflag:s12] =	ssyncset.done $0x0  }
0x3f: {  	[sflag:s12] =	ssyncadd.s32 $0xFFFFE000  }
0x40: {  	_ =	swait.ge [sflag:s26], $0x2000  }
0x41: {  	[sflag:s26] =	ssyncset.done $0x0  }
0x42: {  	s13 =	simm.s32 $0x300;
	[sflag:s26] =	ssyncadd.s32 $0xFFFFE000  }
0x43: {  	[tilespmem:s18], [sflag:$0x3] =	stream.indirect.gather [hbm4b:s8+s14], $0x40, s13, s14, $0xb8;
	[tilespmem:$0x1BE00] =	vst v63  }
0x44: {  	s17 =	simm.s32 $0x5180  }
0x45: {  	[spmem:s3] =	stream.indirect.scatter.add.f32 [tilespmem:s20], [sflag:$0x5], $0x40, s17, s14, $0xb8;
	[tilespmem:$0x1BE00] =	vst v63  }
0x46: {  	_ =	swait.ge [sflag:s12], $0x2000  }
0x47: {  	s2 =	simm.s32 $0x800;
	[sflag:s12] =	ssyncset.done $0x0  }
.LBB2_2:
0x48: {  	p1 =	sne.s32 s2, $0x13000  }
0x49: {  	[sflag:s12] =	ssyncadd.s32 $0xFFFFE000;
	s13 =	smov.u32 s2;
	s2 =	sadd.s32 $0x800, s2  }
0x4a: {  	_ = 	snop  }
0x4b: {  	_ =	swait.ge [sflag:s19], $0x2000  }
0x4c: {  	s13 =	sshra.s32 s13, $0x2;
	[sflag:s19] =	ssyncset.done $0x0  }
0x4d: {  	s17 =	sadd.s32 $0x180, s13;
	[sflag:s19] =	ssyncadd.s32 $0xFFFFE000  }
0x4e: {  	[tilespmem:s20], [sflag:$0x4] =	stream.indirect.gather [hbm4b:s8+s14], $0x40, s17, s14, $0xb8;
	[tilespmem:$0x1BE00] =	vst v63  }
0x4f: {  	s17 =	sadd.s32 $0x5000, s13  }
0x50: {  	[spmem:s3] =	stream.indirect.scatter.add.f32 [tilespmem:s15], [sflag:$0x5], $0x40, s17, s14, $0xb8;
	[tilespmem:$0x1BE00] =	vst v63  }
0x51: {  	_ =	swait.ge [sflag:s12], $0x2000  }
0x52: {  	[sflag:s12] =	ssyncset.done $0x0  }
0x53: {  	[sflag:s12] =	ssyncadd.s32 $0xFFFFE000  }
0x54: {  	_ =	swait.ge [sflag:s21], $0x2000  }
0x55: {  	[sflag:s21] =	ssyncset.done $0x0  }
0x56: {  	s17 =	sadd.s32 $0x200, s13;
	[sflag:s21] =	ssyncadd.s32 $0xFFFFE000  }
0x57: {  	[tilespmem:s15], [sflag:$0x1] =	stream.indirect.gather [hbm4b:s8+s14], $0x40, s17, s14, $0xb8;
	[tilespmem:$0x1BE00] =	vst v63  }
0x58: {  	s17 =	sadd.s32 $0x5080, s13  }
0x59: {  	[spmem:s3] =	stream.indirect.scatter.add.f32 [tilespmem:s16], [sflag:$0x5], $0x40, s17, s14, $0xb8;
	[tilespmem:$0x1BE00] =	vst v63  }
0x5a: {  	_ =	swait.ge [sflag:s12], $0x2000  }
0x5b: {  	[sflag:s12] =	ssyncset.done $0x0  }
0x5c: {  	[sflag:s12] =	ssyncadd.s32 $0xFFFFE000  }
0x5d: {  	_ =	swait.ge [sflag:s22], $0x2000  }
0x5e: {  	[sflag:s22] =	ssyncset.done $0x0  }
0x5f: {  	s17 =	sadd.s32 $0x280, s13;
	[sflag:s22] =	ssyncadd.s32 $0xFFFFE000  }
0x60: {  	[tilespmem:s16], [sflag:$0x2] =	stream.indirect.gather [hbm4b:s8+s14], $0x40, s17, s14, $0xb8;
	[tilespmem:$0x1BE00] =	vst v63  }
0x61: {  	s17 =	sadd.s32 $0x5100, s13  }
0x62: {  	[spmem:s3] =	stream.indirect.scatter.add.f32 [tilespmem:s18], [sflag:$0x5], $0x40, s17, s14, $0xb8;
	[tilespmem:$0x1BE00] =	vst v63  }
0x63: {  	_ =	swait.ge [sflag:s12], $0x2000  }
0x64: {  	[sflag:s12] =	ssyncset.done $0x0  }
0x65: {  	[sflag:s12] =	ssyncadd.s32 $0xFFFFE000  }
0x66: {  	_ =	swait.ge [sflag:s26], $0x2000  }
0x67: {  	[sflag:s26] =	ssyncset.done $0x0  }
0x68: {  	s17 =	sadd.s32 $0x300, s13;
	[sflag:s26] =	ssyncadd.s32 $0xFFFFE000  }
0x69: {  	[tilespmem:s18], [sflag:$0x3] =	stream.indirect.gather [hbm4b:s8+s14], $0x40, s17, s14, $0xb8;
	[tilespmem:$0x1BE00] =	vst v63  }
.Ltmp0:
0x6a: {  	_ = 	snop;
	(pc) =	sbr.rel @p1 .LBB2_2-.Ltmp0, $4  }
0x6b: {  	s13 =	sadd.s32 $0x5180, s13  }
0x6c: {  	[spmem:s3] =	stream.indirect.scatter.add.f32 [tilespmem:s20], [sflag:$0x5], $0x40, s13, s14, $0xb8;
	[tilespmem:$0x1BE00] =	vst v63  }
0x6d: {  	_ =	swait.ge [sflag:s12], $0x2000  }
0x6e: {  	[sflag:s12] =	ssyncset.done $0x0  }
0x6f: {  	[sflag:s12] =	ssyncadd.s32 $0xFFFFE000  }
0x70: {  	_ =	swait.ge [sflag:s19], $0x2000  }
0x71: {  	[sflag:s19] =	ssyncset.done $0x0  }
0x72: {  	[sflag:s19] =	ssyncadd.s32 $0xFFFFE000  }
0x73: {  	[tilespmem:s20], [sflag:$0x4] =	stream.indirect.gather [hbm4b:s8+s14], $0x40, s28, s14, $0xb8;
	[tilespmem:$0x1BE00] =	vst v63  }
0x74: {  	_ = 	snop  }
0x75: {  	[spmem:s3] =	stream.indirect.scatter.add.f32 [tilespmem:s15], [sflag:$0x5], $0x40, s29, s14, $0xb8;
	[tilespmem:$0x1BE00] =	vst v63  }
0x76: {  	_ =	swait.ge [sflag:s12], $0x2000  }
0x77: {  	[sflag:s12] =	ssyncset.done $0x0  }
0x78: {  	[sflag:s12] =	ssyncadd.s32 $0xFFFFE000  }
0x79: {  	_ =	swait.ge [sflag:s21], $0x2000  }
0x7a: {  	[sflag:s21] =	ssyncset.done $0x0  }
0x7b: {  	[sflag:s21] =	ssyncadd.s32 $0xFFFFE000  }
0x7c: {  	[spmem:s3] =	stream.indirect.scatter.add.f32 [tilespmem:s16], [sflag:$0x5], $0x40, s30, s14, $0xb8;
	[tilespmem:$0x1BE00] =	vst v63  }
0x7d: {  	_ =	swait.ge [sflag:s12], $0x2000  }
0x7e: {  	[sflag:s12] =	ssyncset.done $0x0  }
0x7f: {  	[sflag:s12] =	ssyncadd.s32 $0xFFFFE000  }
0x80: {  	_ =	swait.ge [sflag:s22], $0x2000  }
0x81: {  	[sflag:s22] =	ssyncset.done $0x0  }
0x82: {  	[sflag:s22] =	ssyncadd.s32 $0xFFFFE000  }
0x83: {  	[spmem:s3] =	stream.indirect.scatter.add.f32 [tilespmem:s18], [sflag:$0x5], $0x40, s31, s14, $0xb8;
	[tilespmem:$0x1BE00] =	vst v63  }
0x84: {  	_ =	swait.ge [sflag:s12], $0x2000  }
0x85: {  	[sflag:s12] =	ssyncset.done $0x0  }
0x86: {  	[sflag:s12] =	ssyncadd.s32 $0xFFFFE000  }
0x87: {  	_ =	swait.ge [sflag:s26], $0x2000  }
0x88: {  	[sflag:s26] =	ssyncset.done $0x0  }
0x89: {  	[sflag:s26] =	ssyncadd.s32 $0xFFFFE000  }
0x8a: {  	[spmem:s3] =	stream.indirect.scatter.add.f32 [tilespmem:s20], [sflag:$0x5], $0x40, s1, s14, $0xb8;
	[tilespmem:$0x1BE00] =	vst v63  }
0x8b: {  	_ =	swait.ge [sflag:s12], $0x2000  }
0x8c: {  	[sflag:s12] =	ssyncset.done $0x0  }
0x8d: {  	[sflag:s12] =	ssyncadd.s32 $0xFFFFE000  }
0x8e: {  	[bflag:$0x0] =	sbarrier.arrive $0xFFFF  }
0x8f: {  	[hbm:s23], [sflag:s5] =	dma.local [spmem:s24], $0x1380  }
0x90: {  	_ =	swait.ge [sflag:s12], $0x1380  }
0x91: {  	s0 =	sadd.s32 $0x1, s0;
	[sflag:s12] =	ssyncset.done $0x0  }
0x92: {  	s2 =	sadd.s32 @!p0 $0x13800, s9;
	p1 =	sne.s32 s0, s10;
	[sflag:s12] =	ssyncadd.s32 $0xFFFFEC80  }
0x93: {  	[hbm:s2], [sflag:s5] =	dma.local @!p0 [spmem:s25], $0x80  }
.Ltmp1:
0x94: {  	_ = 	snop;
	(pc) =	sbr.rel @p1 .LBB2_1-.Ltmp1, $4  }
0x95: {  	s2 =	simm.s32 @!p0 $0x5  }
0x96: {  	_ =	swait.ge @!p0 [sflag:s2], $0x80  }
0x97: {  	[sflag:s2] =	ssyncset.done @!p0 $0x0  }
0x98: {  	[sflag:s2] =	ssyncadd.s32 @!p0 $0xFFFFFF80  }
0x99: {  	_ =	sfence.sel $0x180000  }
0x9a: {  	[bflag:$0x0] =	sbarrier.arrive $0xFFFF  }
0x9b: {  	_ =	strace $0x90000047  }
0x9c: {  	s0 =	stileid.u32;
	[bflag:$0x2] =	sbarrier.arrive $0xFFFF  }
0x9d: {  	p0 =	sne.s32 s0, $0x0;
	s0 =	rddreg [dreg:$0x3]  }
0x9e: {  	s0 =	sadd.s32 @!p0 $0x100000, s0  }
0x9f: {  	[sflag:s0] =	ssyncadd.tile.s32 @!p0 $0x1;
	_ =	shalt  }
.Lfunc_end2:
_tile_overlayer_lowered:
.L_overlay_start_2:
0xa0: {  	(tag) =	ssettag $0x2  }
0xa1: {  	s0 =	rddreg [dreg:$0x0];
	s2 =	stileid.u32  }
0xa2: {  	s1 =	rddreg [dreg:$0x1];
	p0 =	sne.s32 s2, $0x0  }
0xa3: {  	s3 =	rddreg [dreg:$0x2];
	[bflag:$0x3] =	sbarrier.arrive $0xFFFF;
	s2 =	simm.s32 @!p0 $0x1C05  }
0xa4: {  	[timem:s3], [sflag:s2] =	dma.local @!p0 [hbm:s0], s1  }
0xa5: {  	s0 =	simm.s32 @!p0 $0x5  }
0xa6: {  	_ =	swait.ge @!p0 [sflag:s0], s1  }
0xa7: {  	s1 =	ssub.s32 @!p0 $0x0, s1;
	[sflag:s0] =	ssyncset.done @!p0 $0x0  }
0xa8: {  	[sflag:s0] =	ssyncadd.s32 @!p0 s1  }
0xa9: {  	[bflag:$0x3] =	sbarrier.arrive $0xFFFF  }
0xaa: {  	_ =	shalt  }

</sc_bundles>
